<compile_context>
chip_gen: v7x
topology: tpu7x:2x2x1
jax: 0.10.2.dev20260603
libtpu: 0.0.44.dev20260713+nightly
codegen_flags: <defaults>
</compile_context>

<pallas_src>
import jax
import jax.numpy as jnp
from jax import lax
from jax.experimental import pallas as pl
from jax.experimental.pallas import tpu as pltpu, tpu_sc as plsc

K = 25
T = 1000
MAX_PCT = 0.2
BASE_B1 = 1.4
BASE_B2 = 1.6
BASE_S1 = 0.9
BASE_S2 = 0.2

N = 16384
LANES = 16
TAB_PAD = 32

_info = plsc.get_sparse_core_info()
_NC, _NS = 1, _info.num_subcores
NW = _NC * _NS
CHUNK = N // NW
STEPS = CHUNK // LANES


def _tanh(x):
    e2 = jnp.exp(x + x)
    return 1.0 - 2.0 / (e2 + 1.0)


def _sc_body(t_hbm, db1_hbm, db2_hbm, ds1_hbm, ds2_hbm,
             b1_hbm, b2_hbm, s1_hbm, s2_hbm,
             t_v, tb1_v, tb2_v, ts1_v, ts2_v, o1_v, o2_v, o3_v, o4_v,
             sem, sem_t):
    wid = lax.axis_index("s") * _NC + lax.axis_index("c")
    base = wid * CHUNK

    tabs = (tb1_v, tb2_v, ts1_v, ts2_v)
    t_copy = pltpu.async_copy(t_hbm.at[pl.ds(base, CHUNK)], t_v, sem_t)
    tab_copies = [
        pltpu.async_copy(hbm, tab.at[pl.ds(0, K)], sem)
        for hbm, tab in zip((db1_hbm, db2_hbm, ds1_hbm, ds2_hbm), tabs)
    ]
    for c in tab_copies:
        c.wait()

    for tab, (scale, lo, hi) in zip(tabs, (
        (BASE_B1, None, None),
        (BASE_B2, None, None),
        (BASE_S1, 0.05, 1.0),
        (BASE_S2, 0.05, 1.0),
    )):
        for half in range(TAB_PAD // LANES):
            x = tab[pl.ds(half * LANES, LANES)]
            y = scale * (1.0 + MAX_PCT * _tanh(x))
            if lo is not None:
                y = jnp.clip(y, lo, hi)
            tab[pl.ds(half * LANES, LANES)] = y

    t_copy.wait()
    rows = (o1_v, o2_v, o3_v, o4_v)

    scale = jnp.float32(float(K - 1) / float(T - 1))

    @plsc.parallel_loop(0, CHUNK, LANES, unroll=8)
    def _(off):
        tv = t_v[pl.ds(off, LANES)]
        f = tv.astype(jnp.float32) * scale
        ix = jnp.clip(f.astype(jnp.int32), 0, K - 1)
        for row in range(4):
            rows[row][pl.ds(off, LANES)] = plsc.load_gather(tabs[row], [ix])

    drains = [
        pltpu.async_copy(o, hbm.at[pl.ds(base, CHUNK)], sem)
        for o, hbm in zip(rows, (b1_hbm, b2_hbm, s1_hbm, s2_hbm))
    ]
    for c in drains:
        c.wait()


@jax.jit
def _run(t, db1, db2, ds1, ds2):
    vec = jax.ShapeDtypeStruct((N,), jnp.float32)
    sc = pl.kernel(
        _sc_body,
        out_type=(vec, vec, vec, vec),
        mesh=plsc.VectorSubcoreMesh(
            core_axis_name="c", subcore_axis_name="s", num_cores=_NC),
        compiler_params=pltpu.CompilerParams(needs_layout_passes=False),
        scratch_types=[
            pltpu.VMEM((CHUNK,), jnp.int32),
            pltpu.VMEM((TAB_PAD,), jnp.float32),
            pltpu.VMEM((TAB_PAD,), jnp.float32),
            pltpu.VMEM((TAB_PAD,), jnp.float32),
            pltpu.VMEM((TAB_PAD,), jnp.float32),
            pltpu.VMEM((CHUNK,), jnp.float32),
            pltpu.VMEM((CHUNK,), jnp.float32),
            pltpu.VMEM((CHUNK,), jnp.float32),
            pltpu.VMEM((CHUNK,), jnp.float32),
            pltpu.SemaphoreType.DMA,
            pltpu.SemaphoreType.DMA,
        ],
    )
    return sc(t.astype(jnp.int32), db1, db2, ds1, ds2)


def kernel(t, db1, db2, ds1, ds2):
    return _run(t, db1, db2, ds1, ds2)

# --- scband reference (transcript-rebuilt; emitter-appended) ---
"""Pipeline reference for scband-delta-free-uschedule-33002528702918 (READ-ONLY COPY).

The authoritative reference and input builder live on the scoring server;
editing this copy changes nothing except your own understanding.
"""

import jax, jax.numpy as jnp
import numpy as np

K = 25
T = 1000
MAX_PCT = 0.2
BASE_B1 = 1.4
BASE_B2 = 1.6
BASE_S1 = 0.9
BASE_S2 = 0.2


def setup_inputs(seed: int = 0) -> dict:
    key = jax.random.key(seed)
    t = jax.random.randint(key, (16384,), 0, T, dtype=jnp.int64 if jax.config.jax_enable_x64 else jnp.int32)
    db1 = jnp.zeros((K,), dtype=jnp.float32)
    db2 = jnp.zeros((K,), dtype=jnp.float32)
    ds1 = jnp.zeros((K,), dtype=jnp.float32)
    ds2 = jnp.zeros((K,), dtype=jnp.float32)
    return {"t": t, "db1": db1, "db2": db2, "ds1": ds1, "ds2": ds2}


def reference(t, db1, db2, ds1, ds2):
    # idx = clamp((t.float() / (T-1) * (K-1)).long(), 0, K-1)
    idx = jnp.clip((t.astype(jnp.float32) / (T - 1) * (K - 1)).astype(jnp.int32), 0, K - 1)

    def delta(x):
        return MAX_PCT * jnp.tanh(x)

    b1 = BASE_B1 * (1.0 + delta(jnp.take(db1, idx, axis=0)))
    b2 = BASE_B2 * (1.0 + delta(jnp.take(db2, idx, axis=0)))
    s1 = BASE_S1 * (1.0 + delta(jnp.take(ds1, idx, axis=0)))
    s2 = BASE_S2 * (1.0 + delta(jnp.take(ds2, idx, axis=0)))
    s1 = jnp.clip(s1, 0.05, 1.0)
    s2 = jnp.clip(s2, 0.05, 1.0)
    return (b1, b2, s1, s2)

if __name__ == "__main__":
    import jax
    _d = setup_inputs()
    print(jax.jit(kernel)(*tuple(_d.values())))

</pallas_src>

<mosaic_0001>
#map = affine_map<(d0, d1) -> (0)>
module attributes {stable_mosaic.version = 14 : i64} {
  func.func @_sc_body(%arg0: i32, %arg1: i32, %arg2: memref<16384xi32, #tpu.memory_space<hbm>>, %arg3: memref<25xf32, #tpu.memory_space<hbm>>, %arg4: memref<25xf32, #tpu.memory_space<hbm>>, %arg5: memref<25xf32, #tpu.memory_space<hbm>>, %arg6: memref<25xf32, #tpu.memory_space<hbm>>, %arg7: memref<16384xf32, #tpu.memory_space<hbm>>, %arg8: memref<16384xf32, #tpu.memory_space<hbm>>, %arg9: memref<16384xf32, #tpu.memory_space<hbm>>, %arg10: memref<16384xf32, #tpu.memory_space<hbm>>, %arg11: memref<1024xi32, #tpu.memory_space<vmem>>, %arg12: memref<32xf32, #tpu.memory_space<vmem>>, %arg13: memref<32xf32, #tpu.memory_space<vmem>>, %arg14: memref<32xf32, #tpu.memory_space<vmem>>, %arg15: memref<32xf32, #tpu.memory_space<vmem>>, %arg16: memref<1024xf32, #tpu.memory_space<vmem>>, %arg17: memref<1024xf32, #tpu.memory_space<vmem>>, %arg18: memref<1024xf32, #tpu.memory_space<vmem>>, %arg19: memref<1024xf32, #tpu.memory_space<vmem>>, %arg20: memref<!tpu.dma_semaphore, #tpu.memory_space<semaphore_mem>>, %arg21: memref<!tpu.dma_semaphore, #tpu.memory_space<semaphore_mem>>) attributes {dimension_semantics = [#tpu.dimension_semantics<core_parallel>, #tpu.dimension_semantics<subcore_parallel>], iteration_bounds = array<i64: 1, 16>, scalar_prefetch = 0 : i64, scratch_operands = 11 : i64, tpu.core_type = #tpu.core_type<sc_vector_subcore>, window_params = [{transform_indices = #map}, {transform_indices = #map}, {transform_indices = #map}, {transform_indices = #map}, {transform_indices = #map}, {transform_indices = #map}, {transform_indices = #map}, {transform_indices = #map}, {transform_indices = #map}]} {
    %mul3A = arith.constant 1 : i32
    %mul3A_0 = arith.muli %arg1, %mul3A : i32
    %add3A = arith.addi %mul3A_0, %arg0 : i32
    %mul3A_1 = arith.constant 1024 : i32
    %mul3A_2 = arith.muli %add3A, %mul3A_1 : i32
    %dma_start3A = tpu.memref_slice %arg2[%mul3A_2] : memref<16384xi32, #tpu.memory_space<hbm>> -> memref<1024xi32, #tpu.memory_space<hbm>>
    %dma_start3A_3 = tpu.memref_slice %arg2[%mul3A_2] : memref<16384xi32, #tpu.memory_space<hbm>> -> memref<1024xi32, #tpu.memory_space<hbm>>
    tpu.enqueue_dma source(%dma_start3A_3 : memref<1024xi32, #tpu.memory_space<hbm>>) target(%arg11 : memref<1024xi32, #tpu.memory_space<vmem>>) target_semaphore(%arg21 : memref<!tpu.dma_semaphore, #tpu.memory_space<semaphore_mem>>)
    %dma_start3A_4 = arith.constant 0 : i32
    %dma_start3A_5 = tpu.memref_slice %arg12[%dma_start3A_4] : memref<32xf32, #tpu.memory_space<vmem>> -> memref<25xf32, #tpu.memory_space<vmem>>
    %dma_start3A_6 = arith.constant 0 : i32
    %dma_start3A_7 = tpu.memref_slice %arg12[%dma_start3A_6] : memref<32xf32, #tpu.memory_space<vmem>> -> memref<25xf32, #tpu.memory_space<vmem>>
    tpu.enqueue_dma source(%arg3 : memref<25xf32, #tpu.memory_space<hbm>>) target(%dma_start3A_7 : memref<25xf32, #tpu.memory_space<vmem>>) target_semaphore(%arg20 : memref<!tpu.dma_semaphore, #tpu.memory_space<semaphore_mem>>)
    %dma_start3A_8 = arith.constant 0 : i32
    %dma_start3A_9 = tpu.memref_slice %arg13[%dma_start3A_8] : memref<32xf32, #tpu.memory_space<vmem>> -> memref<25xf32, #tpu.memory_space<vmem>>
    %dma_start3A_10 = arith.constant 0 : i32
    %dma_start3A_11 = tpu.memref_slice %arg13[%dma_start3A_10] : memref<32xf32, #tpu.memory_space<vmem>> -> memref<25xf32, #tpu.memory_space<vmem>>
    tpu.enqueue_dma source(%arg4 : memref<25xf32, #tpu.memory_space<hbm>>) target(%dma_start3A_11 : memref<25xf32, #tpu.memory_space<vmem>>) target_semaphore(%arg20 : memref<!tpu.dma_semaphore, #tpu.memory_space<semaphore_mem>>)
    %dma_start3A_12 = arith.constant 0 : i32
    %dma_start3A_13 = tpu.memref_slice %arg14[%dma_start3A_12] : memref<32xf32, #tpu.memory_space<vmem>> -> memref<25xf32, #tpu.memory_space<vmem>>
    %dma_start3A_14 = arith.constant 0 : i32
    %dma_start3A_15 = tpu.memref_slice %arg14[%dma_start3A_14] : memref<32xf32, #tpu.memory_space<vmem>> -> memref<25xf32, #tpu.memory_space<vmem>>
    tpu.enqueue_dma source(%arg5 : memref<25xf32, #tpu.memory_space<hbm>>) target(%dma_start3A_15 : memref<25xf32, #tpu.memory_space<vmem>>) target_semaphore(%arg20 : memref<!tpu.dma_semaphore, #tpu.memory_space<semaphore_mem>>)
    %dma_start3A_16 = arith.constant 0 : i32
    %dma_start3A_17 = tpu.memref_slice %arg15[%dma_start3A_16] : memref<32xf32, #tpu.memory_space<vmem>> -> memref<25xf32, #tpu.memory_space<vmem>>
    %dma_start3A_18 = arith.constant 0 : i32
    %dma_start3A_19 = tpu.memref_slice %arg15[%dma_start3A_18] : memref<32xf32, #tpu.memory_space<vmem>> -> memref<25xf32, #tpu.memory_space<vmem>>
    tpu.enqueue_dma source(%arg6 : memref<25xf32, #tpu.memory_space<hbm>>) target(%dma_start3A_19 : memref<25xf32, #tpu.memory_space<vmem>>) target_semaphore(%arg20 : memref<!tpu.dma_semaphore, #tpu.memory_space<semaphore_mem>>)
    %dma_wait3A = arith.constant 0 : i32
    %dma_wait3A_20 = tpu.memref_slice %arg12[%dma_wait3A] : memref<32xf32, #tpu.memory_space<vmem>> -> memref<25xf32, #tpu.memory_space<vmem>>
    %dma_wait3A_21 = arith.constant 0 : i32
    %dma_wait3A_22 = tpu.memref_slice %arg12[%dma_wait3A_21] : memref<32xf32, #tpu.memory_space<vmem>> -> memref<25xf32, #tpu.memory_space<vmem>>
    tpu.wait_dma2 semaphore(%arg20 : memref<!tpu.dma_semaphore, #tpu.memory_space<semaphore_mem>>) src(%arg3 : memref<25xf32, #tpu.memory_space<hbm>>) dst(%dma_wait3A_22 : memref<25xf32, #tpu.memory_space<vmem>>)
    %dma_wait3A_23 = arith.constant 0 : i32
    %dma_wait3A_24 = tpu.memref_slice %arg13[%dma_wait3A_23] : memref<32xf32, #tpu.memory_space<vmem>> -> memref<25xf32, #tpu.memory_space<vmem>>
    %dma_wait3A_25 = arith.constant 0 : i32
    %dma_wait3A_26 = tpu.memref_slice %arg13[%dma_wait3A_25] : memref<32xf32, #tpu.memory_space<vmem>> -> memref<25xf32, #tpu.memory_space<vmem>>
    tpu.wait_dma2 semaphore(%arg20 : memref<!tpu.dma_semaphore, #tpu.memory_space<semaphore_mem>>) src(%arg4 : memref<25xf32, #tpu.memory_space<hbm>>) dst(%dma_wait3A_26 : memref<25xf32, #tpu.memory_space<vmem>>)
    %dma_wait3A_27 = arith.constant 0 : i32
    %dma_wait3A_28 = tpu.memref_slice %arg14[%dma_wait3A_27] : memref<32xf32, #tpu.memory_space<vmem>> -> memref<25xf32, #tpu.memory_space<vmem>>
    %dma_wait3A_29 = arith.constant 0 : i32
    %dma_wait3A_30 = tpu.memref_slice %arg14[%dma_wait3A_29] : memref<32xf32, #tpu.memory_space<vmem>> -> memref<25xf32, #tpu.memory_space<vmem>>
    tpu.wait_dma2 semaphore(%arg20 : memref<!tpu.dma_semaphore, #tpu.memory_space<semaphore_mem>>) src(%arg5 : memref<25xf32, #tpu.memory_space<hbm>>) dst(%dma_wait3A_30 : memref<25xf32, #tpu.memory_space<vmem>>)
    %dma_wait3A_31 = arith.constant 0 : i32
    %dma_wait3A_32 = tpu.memref_slice %arg15[%dma_wait3A_31] : memref<32xf32, #tpu.memory_space<vmem>> -> memref<25xf32, #tpu.memory_space<vmem>>
    %dma_wait3A_33 = arith.constant 0 : i32
    %dma_wait3A_34 = tpu.memref_slice %arg15[%dma_wait3A_33] : memref<32xf32, #tpu.memory_space<vmem>> -> memref<25xf32, #tpu.memory_space<vmem>>
    tpu.wait_dma2 semaphore(%arg20 : memref<!tpu.dma_semaphore, #tpu.memory_space<semaphore_mem>>) src(%arg6 : memref<25xf32, #tpu.memory_space<hbm>>) dst(%dma_wait3A_34 : memref<25xf32, #tpu.memory_space<vmem>>)
    %get3A = arith.constant 0 : index
    %get3A_35 = tpu.vector_load %arg12[%get3A] {strides = array<i32>} : memref<32xf32, #tpu.memory_space<vmem>>, vector<16xf32>,
    %add3A_36 = arith.addf %get3A_35, %get3A_35 : vector<16xf32>
    %exp3A = math.exp %add3A_36 : vector<16xf32>
    %add3A_37 = arith.constant 1.000000e+00 : f32
    %add3A_38 = vector.broadcast %add3A_37 : f32 to vector<16xf32>
    %add3A_39 = arith.addf %exp3A, %add3A_38 : vector<16xf32>
    %div3A = arith.constant 2.000000e+00 : f32
    %div3A_40 = vector.broadcast %div3A : f32 to vector<16xf32>
    %div3A_41 = arith.divf %div3A_40, %add3A_39 : vector<16xf32>
    %sub3A = arith.constant 1.000000e+00 : f32
    %sub3A_42 = vector.broadcast %sub3A : f32 to vector<16xf32>
    %sub3A_43 = arith.subf %sub3A_42, %div3A_41 : vector<16xf32>
    %mul3A_44 = arith.constant 2.000000e-01 : f32
    %mul3A_45 = vector.broadcast %mul3A_44 : f32 to vector<16xf32>
    %mul3A_46 = arith.mulf %mul3A_45, %sub3A_43 : vector<16xf32>
    %add3A_47 = arith.constant 1.000000e+00 : f32
    %add3A_48 = vector.broadcast %add3A_47 : f32 to vector<16xf32>
    %add3A_49 = arith.addf %add3A_48, %mul3A_46 : vector<16xf32>
    %mul3A_50 = arith.constant 1.400000e+00 : f32
    %mul3A_51 = vector.broadcast %mul3A_50 : f32 to vector<16xf32>
    %mul3A_52 = arith.mulf %mul3A_51, %add3A_49 : vector<16xf32>
    %swap3A = arith.constant 0 : index
    %swap3A_53 = tpu.vector_load %arg12[%swap3A] {strides = array<i32>} : memref<32xf32, #tpu.memory_space<vmem>>, vector<16xf32>,
    tpu.vector_store %arg12[%swap3A], %mul3A_52 {strides = array<i32>} : memref<32xf32, #tpu.memory_space<vmem>>, vector<16xf32>,
    %get3A_54 = arith.constant 16 : index
    %get3A_55 = tpu.vector_load %arg12[%get3A_54] {strides = array<i32>} : memref<32xf32, #tpu.memory_space<vmem>>, vector<16xf32>,
    %add3A_56 = arith.addf %get3A_55, %get3A_55 : vector<16xf32>
    %exp3A_57 = math.exp %add3A_56 : vector<16xf32>
    %add3A_58 = arith.constant 1.000000e+00 : f32
    %add3A_59 = vector.broadcast %add3A_58 : f32 to vector<16xf32>
    %add3A_60 = arith.addf %exp3A_57, %add3A_59 : vector<16xf32>
    %div3A_61 = arith.constant 2.000000e+00 : f32
    %div3A_62 = vector.broadcast %div3A_61 : f32 to vector<16xf32>
    %div3A_63 = arith.divf %div3A_62, %add3A_60 : vector<16xf32>
    %sub3A_64 = arith.constant 1.000000e+00 : f32
    %sub3A_65 = vector.broadcast %sub3A_64 : f32 to vector<16xf32>
    %sub3A_66 = arith.subf %sub3A_65, %div3A_63 : vector<16xf32>
    %mul3A_67 = arith.constant 2.000000e-01 : f32
    %mul3A_68 = vector.broadcast %mul3A_67 : f32 to vector<16xf32>
    %mul3A_69 = arith.mulf %mul3A_68, %sub3A_66 : vector<16xf32>
    %add3A_70 = arith.constant 1.000000e+00 : f32
    %add3A_71 = vector.broadcast %add3A_70 : f32 to vector<16xf32>
    %add3A_72 = arith.addf %add3A_71, %mul3A_69 : vector<16xf32>
    %mul3A_73 = arith.constant 1.400000e+00 : f32
    %mul3A_74 = vector.broadcast %mul3A_73 : f32 to vector<16xf32>
    %mul3A_75 = arith.mulf %mul3A_74, %add3A_72 : vector<16xf32>
    %swap3A_76 = arith.constant 16 : index
    %swap3A_77 = tpu.vector_load %arg12[%swap3A_76] {strides = array<i32>} : memref<32xf32, #tpu.memory_space<vmem>>, vector<16xf32>,
    tpu.vector_store %arg12[%swap3A_76], %mul3A_75 {strides = array<i32>} : memref<32xf32, #tpu.memory_space<vmem>>, vector<16xf32>,
    %get3A_78 = arith.constant 0 : index
    %get3A_79 = tpu.vector_load %arg13[%get3A_78] {strides = array<i32>} : memref<32xf32, #tpu.memory_space<vmem>>, vector<16xf32>,
    %add3A_80 = arith.addf %get3A_79, %get3A_79 : vector<16xf32>
    %exp3A_81 = math.exp %add3A_80 : vector<16xf32>
    %add3A_82 = arith.constant 1.000000e+00 : f32
    %add3A_83 = vector.broadcast %add3A_82 : f32 to vector<16xf32>
    %add3A_84 = arith.addf %exp3A_81, %add3A_83 : vector<16xf32>
    %div3A_85 = arith.constant 2.000000e+00 : f32
    %div3A_86 = vector.broadcast %div3A_85 : f32 to vector<16xf32>
    %div3A_87 = arith.divf %div3A_86, %add3A_84 : vector<16xf32>
    %sub3A_88 = arith.constant 1.000000e+00 : f32
    %sub3A_89 = vector.broadcast %sub3A_88 : f32 to vector<16xf32>
    %sub3A_90 = arith.subf %sub3A_89, %div3A_87 : vector<16xf32>
    %mul3A_91 = arith.constant 2.000000e-01 : f32
    %mul3A_92 = vector.broadcast %mul3A_91 : f32 to vector<16xf32>
    %mul3A_93 = arith.mulf %mul3A_92, %sub3A_90 : vector<16xf32>
    %add3A_94 = arith.constant 1.000000e+00 : f32
    %add3A_95 = vector.broadcast %add3A_94 : f32 to vector<16xf32>
    %add3A_96 = arith.addf %add3A_95, %mul3A_93 : vector<16xf32>
    %mul3A_97 = arith.constant 1.600000e+00 : f32
    %mul3A_98 = vector.broadcast %mul3A_97 : f32 to vector<16xf32>
    %mul3A_99 = arith.mulf %mul3A_98, %add3A_96 : vector<16xf32>
    %swap3A_100 = arith.constant 0 : index
    %swap3A_101 = tpu.vector_load %arg13[%swap3A_100] {strides = array<i32>} : memref<32xf32, #tpu.memory_space<vmem>>, vector<16xf32>,
    tpu.vector_store %arg13[%swap3A_100], %mul3A_99 {strides = array<i32>} : memref<32xf32, #tpu.memory_space<vmem>>, vector<16xf32>,
    %get3A_102 = arith.constant 16 : index
    %get3A_103 = tpu.vector_load %arg13[%get3A_102] {strides = array<i32>} : memref<32xf32, #tpu.memory_space<vmem>>, vector<16xf32>,
    %add3A_104 = arith.addf %get3A_103, %get3A_103 : vector<16xf32>
    %exp3A_105 = math.exp %add3A_104 : vector<16xf32>
    %add3A_106 = arith.constant 1.000000e+00 : f32
    %add3A_107 = vector.broadcast %add3A_106 : f32 to vector<16xf32>
    %add3A_108 = arith.addf %exp3A_105, %add3A_107 : vector<16xf32>
    %div3A_109 = arith.constant 2.000000e+00 : f32
    %div3A_110 = vector.broadcast %div3A_109 : f32 to vector<16xf32>
    %div3A_111 = arith.divf %div3A_110, %add3A_108 : vector<16xf32>
    %sub3A_112 = arith.constant 1.000000e+00 : f32
    %sub3A_113 = vector.broadcast %sub3A_112 : f32 to vector<16xf32>
    %sub3A_114 = arith.subf %sub3A_113, %div3A_111 : vector<16xf32>
    %mul3A_115 = arith.constant 2.000000e-01 : f32
    %mul3A_116 = vector.broadcast %mul3A_115 : f32 to vector<16xf32>
    %mul3A_117 = arith.mulf %mul3A_116, %sub3A_114 : vector<16xf32>
    %add3A_118 = arith.constant 1.000000e+00 : f32
    %add3A_119 = vector.broadcast %add3A_118 : f32 to vector<16xf32>
    %add3A_120 = arith.addf %add3A_119, %mul3A_117 : vector<16xf32>
    %mul3A_121 = arith.constant 1.600000e+00 : f32
    %mul3A_122 = vector.broadcast %mul3A_121 : f32 to vector<16xf32>
    %mul3A_123 = arith.mulf %mul3A_122, %add3A_120 : vector<16xf32>
    %swap3A_124 = arith.constant 16 : index
    %swap3A_125 = tpu.vector_load %arg13[%swap3A_124] {strides = array<i32>} : memref<32xf32, #tpu.memory_space<vmem>>, vector<16xf32>,
    tpu.vector_store %arg13[%swap3A_124], %mul3A_123 {strides = array<i32>} : memref<32xf32, #tpu.memory_space<vmem>>, vector<16xf32>,
    %get3A_126 = arith.constant 0 : index
    %get3A_127 = tpu.vector_load %arg14[%get3A_126] {strides = array<i32>} : memref<32xf32, #tpu.memory_space<vmem>>, vector<16xf32>,
    %add3A_128 = arith.addf %get3A_127, %get3A_127 : vector<16xf32>
    %exp3A_129 = math.exp %add3A_128 : vector<16xf32>
    %add3A_130 = arith.constant 1.000000e+00 : f32
    %add3A_131 = vector.broadcast %add3A_130 : f32 to vector<16xf32>
    %add3A_132 = arith.addf %exp3A_129, %add3A_131 : vector<16xf32>
    %div3A_133 = arith.constant 2.000000e+00 : f32
    %div3A_134 = vector.broadcast %div3A_133 : f32 to vector<16xf32>
    %div3A_135 = arith.divf %div3A_134, %add3A_132 : vector<16xf32>
    %sub3A_136 = arith.constant 1.000000e+00 : f32
    %sub3A_137 = vector.broadcast %sub3A_136 : f32 to vector<16xf32>
    %sub3A_138 = arith.subf %sub3A_137, %div3A_135 : vector<16xf32>
    %mul3A_139 = arith.constant 2.000000e-01 : f32
    %mul3A_140 = vector.broadcast %mul3A_139 : f32 to vector<16xf32>
    %mul3A_141 = arith.mulf %mul3A_140, %sub3A_138 : vector<16xf32>
    %add3A_142 = arith.constant 1.000000e+00 : f32
    %add3A_143 = vector.broadcast %add3A_142 : f32 to vector<16xf32>
    %add3A_144 = arith.addf %add3A_143, %mul3A_141 : vector<16xf32>
    %mul3A_145 = arith.constant 0.899999976 : f32
    %mul3A_146 = vector.broadcast %mul3A_145 : f32 to vector<16xf32>
    %mul3A_147 = arith.mulf %mul3A_146, %add3A_144 : vector<16xf32>
    %jit3A = arith.constant 5.000000e-02 : f32
    %jit3A_148 = arith.constant 1.000000e+00 : f32
    %max3A = vector.broadcast %jit3A : f32 to vector<16xf32>
    %max3A_149 = arith.maximumf %max3A, %mul3A_147 : vector<16xf32>
    %min3A = vector.broadcast %jit3A_148 : f32 to vector<16xf32>
    %min3A_150 = arith.minimumf %min3A, %max3A_149 : vector<16xf32>
    %swap3A_151 = arith.constant 0 : index
    %swap3A_152 = tpu.vector_load %arg14[%swap3A_151] {strides = array<i32>} : memref<32xf32, #tpu.memory_space<vmem>>, vector<16xf32>,
    tpu.vector_store %arg14[%swap3A_151], %min3A_150 {strides = array<i32>} : memref<32xf32, #tpu.memory_space<vmem>>, vector<16xf32>,
    %get3A_153 = arith.constant 16 : index
    %get3A_154 = tpu.vector_load %arg14[%get3A_153] {strides = array<i32>} : memref<32xf32, #tpu.memory_space<vmem>>, vector<16xf32>,
    %add3A_155 = arith.addf %get3A_154, %get3A_154 : vector<16xf32>
    %exp3A_156 = math.exp %add3A_155 : vector<16xf32>
    %add3A_157 = arith.constant 1.000000e+00 : f32
    %add3A_158 = vector.broadcast %add3A_157 : f32 to vector<16xf32>
    %add3A_159 = arith.addf %exp3A_156, %add3A_158 : vector<16xf32>
    %div3A_160 = arith.constant 2.000000e+00 : f32
    %div3A_161 = vector.broadcast %div3A_160 : f32 to vector<16xf32>
    %div3A_162 = arith.divf %div3A_161, %add3A_159 : vector<16xf32>
    %sub3A_163 = arith.constant 1.000000e+00 : f32
    %sub3A_164 = vector.broadcast %sub3A_163 : f32 to vector<16xf32>
    %sub3A_165 = arith.subf %sub3A_164, %div3A_162 : vector<16xf32>
    %mul3A_166 = arith.constant 2.000000e-01 : f32
    %mul3A_167 = vector.broadcast %mul3A_166 : f32 to vector<16xf32>
    %mul3A_168 = arith.mulf %mul3A_167, %sub3A_165 : vector<16xf32>
    %add3A_169 = arith.constant 1.000000e+00 : f32
    %add3A_170 = vector.broadcast %add3A_169 : f32 to vector<16xf32>
    %add3A_171 = arith.addf %add3A_170, %mul3A_168 : vector<16xf32>
    %mul3A_172 = arith.constant 0.899999976 : f32
    %mul3A_173 = vector.broadcast %mul3A_172 : f32 to vector<16xf32>
    %mul3A_174 = arith.mulf %mul3A_173, %add3A_171 : vector<16xf32>
    %jit3A_175 = arith.constant 5.000000e-02 : f32
    %jit3A_176 = arith.constant 1.000000e+00 : f32
    %max3A_177 = vector.broadcast %jit3A_175 : f32 to vector<16xf32>
    %max3A_178 = arith.maximumf %max3A_177, %mul3A_174 : vector<16xf32>
    %min3A_179 = vector.broadcast %jit3A_176 : f32 to vector<16xf32>
    %min3A_180 = arith.minimumf %min3A_179, %max3A_178 : vector<16xf32>
    %swap3A_181 = arith.constant 16 : index
    %swap3A_182 = tpu.vector_load %arg14[%swap3A_181] {strides = array<i32>} : memref<32xf32, #tpu.memory_space<vmem>>, vector<16xf32>,
    tpu.vector_store %arg14[%swap3A_181], %min3A_180 {strides = array<i32>} : memref<32xf32, #tpu.memory_space<vmem>>, vector<16xf32>,
    %get3A_183 = arith.constant 0 : index
    %get3A_184 = tpu.vector_load %arg15[%get3A_183] {strides = array<i32>} : memref<32xf32, #tpu.memory_space<vmem>>, vector<16xf32>,
    %add3A_185 = arith.addf %get3A_184, %get3A_184 : vector<16xf32>
    %exp3A_186 = math.exp %add3A_185 : vector<16xf32>
    %add3A_187 = arith.constant 1.000000e+00 : f32
    %add3A_188 = vector.broadcast %add3A_187 : f32 to vector<16xf32>
    %add3A_189 = arith.addf %exp3A_186, %add3A_188 : vector<16xf32>
    %div3A_190 = arith.constant 2.000000e+00 : f32
    %div3A_191 = vector.broadcast %div3A_190 : f32 to vector<16xf32>
    %div3A_192 = arith.divf %div3A_191, %add3A_189 : vector<16xf32>
    %sub3A_193 = arith.constant 1.000000e+00 : f32
    %sub3A_194 = vector.broadcast %sub3A_193 : f32 to vector<16xf32>
    %sub3A_195 = arith.subf %sub3A_194, %div3A_192 : vector<16xf32>
    %mul3A_196 = arith.constant 2.000000e-01 : f32
    %mul3A_197 = vector.broadcast %mul3A_196 : f32 to vector<16xf32>
    %mul3A_198 = arith.mulf %mul3A_197, %sub3A_195 : vector<16xf32>
    %add3A_199 = arith.constant 1.000000e+00 : f32
    %add3A_200 = vector.broadcast %add3A_199 : f32 to vector<16xf32>
    %add3A_201 = arith.addf %add3A_200, %mul3A_198 : vector<16xf32>
    %mul3A_202 = arith.constant 2.000000e-01 : f32
    %mul3A_203 = vector.broadcast %mul3A_202 : f32 to vector<16xf32>
    %mul3A_204 = arith.mulf %mul3A_203, %add3A_201 : vector<16xf32>
    %jit3A_205 = arith.constant 5.000000e-02 : f32
    %jit3A_206 = arith.constant 1.000000e+00 : f32
    %max3A_207 = vector.broadcast %jit3A_205 : f32 to vector<16xf32>
    %max3A_208 = arith.maximumf %max3A_207, %mul3A_204 : vector<16xf32>
    %min3A_209 = vector.broadcast %jit3A_206 : f32 to vector<16xf32>
    %min3A_210 = arith.minimumf %min3A_209, %max3A_208 : vector<16xf32>
    %swap3A_211 = arith.constant 0 : index
    %swap3A_212 = tpu.vector_load %arg15[%swap3A_211] {strides = array<i32>} : memref<32xf32, #tpu.memory_space<vmem>>, vector<16xf32>,
    tpu.vector_store %arg15[%swap3A_211], %min3A_210 {strides = array<i32>} : memref<32xf32, #tpu.memory_space<vmem>>, vector<16xf32>,
    %get3A_213 = arith.constant 16 : index
    %get3A_214 = tpu.vector_load %arg15[%get3A_213] {strides = array<i32>} : memref<32xf32, #tpu.memory_space<vmem>>, vector<16xf32>,
    %add3A_215 = arith.addf %get3A_214, %get3A_214 : vector<16xf32>
    %exp3A_216 = math.exp %add3A_215 : vector<16xf32>
    %add3A_217 = arith.constant 1.000000e+00 : f32
    %add3A_218 = vector.broadcast %add3A_217 : f32 to vector<16xf32>
    %add3A_219 = arith.addf %exp3A_216, %add3A_218 : vector<16xf32>
    %div3A_220 = arith.constant 2.000000e+00 : f32
    %div3A_221 = vector.broadcast %div3A_220 : f32 to vector<16xf32>
    %div3A_222 = arith.divf %div3A_221, %add3A_219 : vector<16xf32>
    %sub3A_223 = arith.constant 1.000000e+00 : f32
    %sub3A_224 = vector.broadcast %sub3A_223 : f32 to vector<16xf32>
    %sub3A_225 = arith.subf %sub3A_224, %div3A_222 : vector<16xf32>
    %mul3A_226 = arith.constant 2.000000e-01 : f32
    %mul3A_227 = vector.broadcast %mul3A_226 : f32 to vector<16xf32>
    %mul3A_228 = arith.mulf %mul3A_227, %sub3A_225 : vector<16xf32>
    %add3A_229 = arith.constant 1.000000e+00 : f32
    %add3A_230 = vector.broadcast %add3A_229 : f32 to vector<16xf32>
    %add3A_231 = arith.addf %add3A_230, %mul3A_228 : vector<16xf32>
    %mul3A_232 = arith.constant 2.000000e-01 : f32
    %mul3A_233 = vector.broadcast %mul3A_232 : f32 to vector<16xf32>
    %mul3A_234 = arith.mulf %mul3A_233, %add3A_231 : vector<16xf32>
    %jit3A_235 = arith.constant 5.000000e-02 : f32
    %jit3A_236 = arith.constant 1.000000e+00 : f32
    %max3A_237 = vector.broadcast %jit3A_235 : f32 to vector<16xf32>
    %max3A_238 = arith.maximumf %max3A_237, %mul3A_234 : vector<16xf32>
    %min3A_239 = vector.broadcast %jit3A_236 : f32 to vector<16xf32>
    %min3A_240 = arith.minimumf %min3A_239, %max3A_238 : vector<16xf32>
    %swap3A_241 = arith.constant 16 : index
    %swap3A_242 = tpu.vector_load %arg15[%swap3A_241] {strides = array<i32>} : memref<32xf32, #tpu.memory_space<vmem>>, vector<16xf32>,
    tpu.vector_store %arg15[%swap3A_241], %min3A_240 {strides = array<i32>} : memref<32xf32, #tpu.memory_space<vmem>>, vector<16xf32>,
    %dma_wait3A_243 = tpu.memref_slice %arg2[%mul3A_2] : memref<16384xi32, #tpu.memory_space<hbm>> -> memref<1024xi32, #tpu.memory_space<hbm>>
    %dma_wait3A_244 = tpu.memref_slice %arg2[%mul3A_2] : memref<16384xi32, #tpu.memory_space<hbm>> -> memref<1024xi32, #tpu.memory_space<hbm>>
    tpu.wait_dma2 semaphore(%arg21 : memref<!tpu.dma_semaphore, #tpu.memory_space<semaphore_mem>>) src(%dma_wait3A_244 : memref<1024xi32, #tpu.memory_space<hbm>>) dst(%arg11 : memref<1024xi32, #tpu.memory_space<vmem>>)
    %parallel_loop3A = arith.constant 0 : i32
    %parallel_loop3A_245 = arith.constant 1024 : i32
    %parallel_loop3A_246 = arith.constant 16 : i32
    %parallel_loop3A_247 = arith.constant 0.0240240246 : f32
    scf.for %parallel_loop3A_264 = %parallel_loop3A to %parallel_loop3A_245 step %parallel_loop3A_246  : i32 {
      %parallel_loop3A_265 = arith.index_cast %parallel_loop3A_264 : i32 to index
      %parallel_loop3A_266 = tpu.vector_load %arg11[%parallel_loop3A_265] {strides = array<i32>} : memref<1024xi32, #tpu.memory_space<vmem>>, vector<16xi32>,
      %parallel_loop3A_267 = arith.sitofp %parallel_loop3A_266 : vector<16xi32> to vector<16xf32>
      %parallel_loop3A_268 = vector.broadcast %parallel_loop3A_247 : f32 to vector<16xf32>
      %parallel_loop3A_269 = arith.mulf %parallel_loop3A_267, %parallel_loop3A_268 : vector<16xf32>
      %parallel_loop3A_270 = arith.fptosi %parallel_loop3A_269 : vector<16xf32> to vector<16xi32>
      %parallel_loop3A_271 = arith.constant 0 : i32
      %parallel_loop3A_272 = arith.constant 24 : i32
      %parallel_loop3A_273 = vector.broadcast %parallel_loop3A_271 : i32 to vector<16xi32>
      %parallel_loop3A_274 = arith.maxsi %parallel_loop3A_273, %parallel_loop3A_270 : vector<16xi32>
      %parallel_loop3A_275 = vector.broadcast %parallel_loop3A_272 : i32 to vector<16xi32>
      %parallel_loop3A_276 = arith.minsi %parallel_loop3A_275, %parallel_loop3A_274 : vector<16xi32>
      %parallel_loop3A_277 = tpu.vector_load_idx %arg12[%parallel_loop3A_276] : memref<32xf32, #tpu.memory_space<vmem>>[vector<16xi32>], vector<16xf32>,
      %parallel_loop3A_278 = arith.index_cast %parallel_loop3A_264 : i32 to index
      %parallel_loop3A_279 = tpu.vector_load %arg16[%parallel_loop3A_278] {strides = array<i32>} : memref<1024xf32, #tpu.memory_space<vmem>>, vector<16xf32>,
      tpu.vector_store %arg16[%parallel_loop3A_278], %parallel_loop3A_277 {strides = array<i32>} : memref<1024xf32, #tpu.memory_space<vmem>>, vector<16xf32>,
      %parallel_loop3A_280 = tpu.vector_load_idx %arg13[%parallel_loop3A_276] : memref<32xf32, #tpu.memory_space<vmem>>[vector<16xi32>], vector<16xf32>,
      %parallel_loop3A_281 = arith.index_cast %parallel_loop3A_264 : i32 to index
      %parallel_loop3A_282 = tpu.vector_load %arg17[%parallel_loop3A_281] {strides = array<i32>} : memref<1024xf32, #tpu.memory_space<vmem>>, vector<16xf32>,
      tpu.vector_store %arg17[%parallel_loop3A_281], %parallel_loop3A_280 {strides = array<i32>} : memref<1024xf32, #tpu.memory_space<vmem>>, vector<16xf32>,
      %parallel_loop3A_283 = tpu.vector_load_idx %arg14[%parallel_loop3A_276] : memref<32xf32, #tpu.memory_space<vmem>>[vector<16xi32>], vector<16xf32>,
      %parallel_loop3A_284 = arith.index_cast %parallel_loop3A_264 : i32 to index
      %parallel_loop3A_285 = tpu.vector_load %arg18[%parallel_loop3A_284] {strides = array<i32>} : memref<1024xf32, #tpu.memory_space<vmem>>, vector<16xf32>,
      tpu.vector_store %arg18[%parallel_loop3A_284], %parallel_loop3A_283 {strides = array<i32>} : memref<1024xf32, #tpu.memory_space<vmem>>, vector<16xf32>,
      %parallel_loop3A_286 = tpu.vector_load_idx %arg15[%parallel_loop3A_276] : memref<32xf32, #tpu.memory_space<vmem>>[vector<16xi32>], vector<16xf32>,
      %parallel_loop3A_287 = arith.index_cast %parallel_loop3A_264 : i32 to index
      %parallel_loop3A_288 = tpu.vector_load %arg19[%parallel_loop3A_287] {strides = array<i32>} : memref<1024xf32, #tpu.memory_space<vmem>>, vector<16xf32>,
      tpu.vector_store %arg19[%parallel_loop3A_287], %parallel_loop3A_286 {strides = array<i32>} : memref<1024xf32, #tpu.memory_space<vmem>>, vector<16xf32>,
    } {sc.loop_unroll_factor = 8 : i64, sc.parallel_access}
    %dma_start3A_248 = tpu.memref_slice %arg7[%mul3A_2] : memref<16384xf32, #tpu.memory_space<hbm>> -> memref<1024xf32, #tpu.memory_space<hbm>>
    %dma_start3A_249 = tpu.memref_slice %arg7[%mul3A_2] : memref<16384xf32, #tpu.memory_space<hbm>> -> memref<1024xf32, #tpu.memory_space<hbm>>
    tpu.enqueue_dma source(%arg16 : memref<1024xf32, #tpu.memory_space<vmem>>) target(%dma_start3A_249 : memref<1024xf32, #tpu.memory_space<hbm>>) target_semaphore(%arg20 : memref<!tpu.dma_semaphore, #tpu.memory_space<semaphore_mem>>)
    %dma_start3A_250 = tpu.memref_slice %arg8[%mul3A_2] : memref<16384xf32, #tpu.memory_space<hbm>> -> memref<1024xf32, #tpu.memory_space<hbm>>
    %dma_start3A_251 = tpu.memref_slice %arg8[%mul3A_2] : memref<16384xf32, #tpu.memory_space<hbm>> -> memref<1024xf32, #tpu.memory_space<hbm>>
    tpu.enqueue_dma source(%arg17 : memref<1024xf32, #tpu.memory_space<vmem>>) target(%dma_start3A_251 : memref<1024xf32, #tpu.memory_space<hbm>>) target_semaphore(%arg20 : memref<!tpu.dma_semaphore, #tpu.memory_space<semaphore_mem>>)
    %dma_start3A_252 = tpu.memref_slice %arg9[%mul3A_2] : memref<16384xf32, #tpu.memory_space<hbm>> -> memref<1024xf32, #tpu.memory_space<hbm>>
    %dma_start3A_253 = tpu.memref_slice %arg9[%mul3A_2] : memref<16384xf32, #tpu.memory_space<hbm>> -> memref<1024xf32, #tpu.memory_space<hbm>>
    tpu.enqueue_dma source(%arg18 : memref<1024xf32, #tpu.memory_space<vmem>>) target(%dma_start3A_253 : memref<1024xf32, #tpu.memory_space<hbm>>) target_semaphore(%arg20 : memref<!tpu.dma_semaphore, #tpu.memory_space<semaphore_mem>>)
    %dma_start3A_254 = tpu.memref_slice %arg10[%mul3A_2] : memref<16384xf32, #tpu.memory_space<hbm>> -> memref<1024xf32, #tpu.memory_space<hbm>>
    %dma_start3A_255 = tpu.memref_slice %arg10[%mul3A_2] : memref<16384xf32, #tpu.memory_space<hbm>> -> memref<1024xf32, #tpu.memory_space<hbm>>
    tpu.enqueue_dma source(%arg19 : memref<1024xf32, #tpu.memory_space<vmem>>) target(%dma_start3A_255 : memref<1024xf32, #tpu.memory_space<hbm>>) target_semaphore(%arg20 : memref<!tpu.dma_semaphore, #tpu.memory_space<semaphore_mem>>)
    %dma_wait3A_256 = tpu.memref_slice %arg7[%mul3A_2] : memref<16384xf32, #tpu.memory_space<hbm>> -> memref<1024xf32, #tpu.memory_space<hbm>>
    %dma_wait3A_257 = tpu.memref_slice %arg7[%mul3A_2] : memref<16384xf32, #tpu.memory_space<hbm>> -> memref<1024xf32, #tpu.memory_space<hbm>>
    tpu.wait_dma2 semaphore(%arg20 : memref<!tpu.dma_semaphore, #tpu.memory_space<semaphore_mem>>) src(%arg16 : memref<1024xf32, #tpu.memory_space<vmem>>) dst(%dma_wait3A_257 : memref<1024xf32, #tpu.memory_space<hbm>>)
    %dma_wait3A_258 = tpu.memref_slice %arg8[%mul3A_2] : memref<16384xf32, #tpu.memory_space<hbm>> -> memref<1024xf32, #tpu.memory_space<hbm>>
    %dma_wait3A_259 = tpu.memref_slice %arg8[%mul3A_2] : memref<16384xf32, #tpu.memory_space<hbm>> -> memref<1024xf32, #tpu.memory_space<hbm>>
    tpu.wait_dma2 semaphore(%arg20 : memref<!tpu.dma_semaphore, #tpu.memory_space<semaphore_mem>>) src(%arg17 : memref<1024xf32, #tpu.memory_space<vmem>>) dst(%dma_wait3A_259 : memref<1024xf32, #tpu.memory_space<hbm>>)
    %dma_wait3A_260 = tpu.memref_slice %arg9[%mul3A_2] : memref<16384xf32, #tpu.memory_space<hbm>> -> memref<1024xf32, #tpu.memory_space<hbm>>
    %dma_wait3A_261 = tpu.memref_slice %arg9[%mul3A_2] : memref<16384xf32, #tpu.memory_space<hbm>> -> memref<1024xf32, #tpu.memory_space<hbm>>
    tpu.wait_dma2 semaphore(%arg20 : memref<!tpu.dma_semaphore, #tpu.memory_space<semaphore_mem>>) src(%arg18 : memref<1024xf32, #tpu.memory_space<vmem>>) dst(%dma_wait3A_261 : memref<1024xf32, #tpu.memory_space<hbm>>)
    %dma_wait3A_262 = tpu.memref_slice %arg10[%mul3A_2] : memref<16384xf32, #tpu.memory_space<hbm>> -> memref<1024xf32, #tpu.memory_space<hbm>>
    %dma_wait3A_263 = tpu.memref_slice %arg10[%mul3A_2] : memref<16384xf32, #tpu.memory_space<hbm>> -> memref<1024xf32, #tpu.memory_space<hbm>>
    tpu.wait_dma2 semaphore(%arg20 : memref<!tpu.dma_semaphore, #tpu.memory_space<semaphore_mem>>) src(%arg19 : memref<1024xf32, #tpu.memory_space<vmem>>) dst(%dma_wait3A_263 : memref<1024xf32, #tpu.memory_space<hbm>>)
    return
  }
}

</mosaic_0001>

<sc_bundles>
// kernel: _run.3.cloned.1.call-start
scs
__scs_entry_jumppad:
0x0: {  	(pc) =	sbr.rel $0x88, $3  }
0x1: {  	(tag) =	ssettag $0x0;
	lr =	simm.s32 $0x1  }
0x2: {  	[smem:$0x3F9C] =	sst lr;
	_ =	strace $0xD0000000  }
0x3: {  	_ = 	snop  }
0x4: {  	_ = 	snop  }
0x5: {  	_ = 	snop  }
0x6: {  	_ = 	snop  }
0x7: {  	_ = 	snop  }
__scs_overlays_trampoline_lowered:
0x8: {  	[smem:$0x3FAB] =	sst s0  }
0x9: {  	[smem:$0x3FAC] =	sst s1  }
0xa: {  	[smem:$0x3FAD] =	sst s2  }
0xb: {  	[smem:$0x3FAE] =	sst s3  }
0xc: {  	[smem:$0x3FAF] =	sst s4  }
0xd: {  	[smem:$0x3FB0] =	sst s5  }
0xe: {  	[smem:$0x3FB1] =	sst s6  }
0xf: {  	[smem:$0x3FB2] =	sst s7  }
0x10: {  	[smem:$0x3FB3] =	sst s8  }
0x11: {  	[smem:$0x3FB4] =	sst s9;
	s0 =	simm.s32 @!p0 $0x0  }
0x12: {  	s1 =	sld [smem:$0x3F9A];
	s0 =	simm.s32 @p0 $0x1  }
0x13: {  	[smem:$0x3FB5] =	sst s0;
	s0 =	simm.s32 @!p1 $0x0  }
0x14: {  	s2 =	sld [smem:$0x3F99];
	s0 =	simm.s32 @p1 $0x1  }
0x15: {  	[smem:$0x3FB6] =	sst s0;
	s0 =	simm.s32 @!p2 $0x0  }
0x16: {  	s3 =	sld [smem:$0x3FDB];
	s0 =	simm.s32 @p2 $0x1  }
0x17: {  	s4 =	simm.s32 $0x1BF5;
	[smem:$0x3FB8] =	sst s0  }
0x18: {  	s0 =	sld [smem:$0x3F9B];
	_ =	swait.ge [sflag:s4], $0x0  }
0x19: {  	s7 =	sld [smem:$0x3F9C]  }
0x1a: {  	s8 =	sadd.s32 $0xFFFFE003, lr  }
0x1b: {  	s9 =	sadd.s32 $0xFFFFFEF7, lr;
	s5 =	simm.s32 $0xFFFFFFFF;
	p2 =	slt.u32 s8, $0xFFFFF086  }
0x1c: {  	p1 =	slt.u32 s9, $0xF7A;
	s5 =	simm.s32 @!p2 $0x0  }
0x1d: {  	s5 =	simm.s32 @p1 $0x1;
	p0 =	seq.s32 s7, s2  }
0x1e: {  	s7 =	smul.u32 @!p0 $0xF7A, s2;
	p2 =	seq.s32 @!p0 s5, $0x0  }
0x1f: {  	s9 =	smul.u32 $0xF7A, s1;
	s8 =	simm.s32 @!p0 $0x1BF5;
	p2 =	por !p2, p0  }
0x20: {  	[sflag:s8] =	ssyncset.s32 @!p0 $0xFFFFF086;
	s6 =	sadd.s32 @!p0 s3, s7;
	s7 =	simm.s32 @!p0 $0x108  }
0x21: {  	s3 =	sadd.s32 s3, s9;
	s6 =	sadd.s32 @!p0 $0x88, s6;
	s7 =	simm.s32 @p2 $0x1082  }
0x22: {  	[simem:s7], [sflag:s8] =	dma.local @!p0 [hbm:s6], $0xF7A  }
0x23: {  	s9 =	sor.u32 $0xD0000000, s2;
	s6 =	simm.s32 $0x108;
	_ =	swait.ge @!p0 [sflag:s8], $0x0  }
0x24: {  	s3 =	sadd.s32 $0x88, s3;
	s6 =	simm.s32 @!p1 $0x1082;
	[sflag:s4] =	ssyncset.s32 $0xFFFFF086  }
0x25: {  	[simem:s6], [sflag:s4] =	dma.local [hbm:s3], $0xF7A  }
0x26: {  	[smem:$0x3F9C] =	sst s1;
	(tag) =	ssettag s2;
	_ =	strace s9  }
0x27: {  	s1 =	sld [smem:$0x3FAC]  }
0x28: {  	s2 =	sld [smem:$0x3FAD]  }
0x29: {  	s4 =	sld [smem:$0x3FAF]  }
0x2a: {  	p0 =	seq.s32 s5, $0x0;
	s5 =	sld [smem:$0x3FB0]  }
0x2b: {  	s6 =	sld [smem:$0x3FB1]  }
0x2c: {  	s7 =	sld [smem:$0x3FB2]  }
0x2d: {  	s3 =	simm.s32 $0x108;
	s8 =	sld [smem:$0x3FB3]  }
0x2e: {  	s3 =	simm.s32 @!p0 $0x1082;
	s9 =	sld [smem:$0x3FB4]  }
0x2f: {  	lr =	sadd.s32 s0, s3;
	s0 =	sld [smem:$0x3FAB]  }
0x30: {  	s3 =	sld [smem:$0x3FAE]  }
0x31: {  	[smem:$0x3FB7] =	sst s10  }
0x32: {  	s10 =	sld [smem:$0x3FB5];
	_ =	sdelay $0x3  }
0x33: {  	p0 =	seq.s32 s10, $0x1;
	s10 =	sld [smem:$0x3FB7];
	_ =	sdelay $0x3  }
0x34: {  	[smem:$0x3FB7] =	sst s10  }
0x35: {  	s10 =	sld [smem:$0x3FB6];
	_ =	sdelay $0x3  }
0x36: {  	p1 =	seq.s32 s10, $0x1;
	s10 =	sld [smem:$0x3FB7];
	_ =	sdelay $0x3  }
0x37: {  	[smem:$0x3FB7] =	sst s10  }
0x38: {  	s10 =	sld [smem:$0x3FB8]  }
0x39: {  	_ = 	snop;
	(pc) =	sbr.ind lr, $3  }
0x3a: {  	_ = 	snop  }
0x3b: {  	_ = 	snop  }
0x3c: {  	p2 =	seq.s32 s10, $0x1;
	s10 =	sld [smem:$0x3FB7]  }
0x3d: {  	_ =	shalt  }
0x3e: {  	_ =	shalt  }
0x3f: {  	_ =	shalt  }
0x40: {  	_ =	shalt  }
0x41: {  	_ =	shalt  }
0x42: {  	_ =	shalt  }
0x43: {  	_ =	shalt  }
0x44: {  	_ =	shalt  }
0x45: {  	_ =	shalt  }
0x46: {  	_ =	shalt  }
0x47: {  	_ =	shalt  }
0x48: {  	_ =	shalt  }
0x49: {  	_ =	shalt  }
0x4a: {  	_ =	shalt  }
0x4b: {  	_ =	shalt  }
0x4c: {  	_ =	shalt  }
0x4d: {  	_ =	shalt  }
0x4e: {  	_ =	shalt  }
0x4f: {  	_ =	shalt  }
0x50: {  	_ =	shalt  }
0x51: {  	_ =	shalt  }
0x52: {  	_ =	shalt  }
0x53: {  	_ =	shalt  }
0x54: {  	_ =	shalt  }
0x55: {  	_ =	shalt  }
0x56: {  	_ =	shalt  }
0x57: {  	_ =	shalt  }
0x58: {  	_ =	shalt  }
0x59: {  	_ =	shalt  }
0x5a: {  	_ =	shalt  }
0x5b: {  	_ =	shalt  }
0x5c: {  	_ =	shalt  }
0x5d: {  	_ =	shalt  }
0x5e: {  	_ =	shalt  }
0x5f: {  	_ =	shalt  }
0x60: {  	_ =	shalt  }
0x61: {  	_ =	shalt  }
0x62: {  	_ =	shalt  }
0x63: {  	_ =	shalt  }
0x64: {  	_ =	shalt  }
0x65: {  	_ =	shalt  }
0x66: {  	_ =	shalt  }
0x67: {  	_ =	shalt  }
0x68: {  	_ =	shalt  }
0x69: {  	_ =	shalt  }
0x6a: {  	_ =	shalt  }
0x6b: {  	_ =	shalt  }
0x6c: {  	_ =	shalt  }
0x6d: {  	_ =	shalt  }
0x6e: {  	_ =	shalt  }
0x6f: {  	_ =	shalt  }
0x70: {  	_ =	shalt  }
0x71: {  	_ =	shalt  }
0x72: {  	_ =	shalt  }
0x73: {  	_ =	shalt  }
0x74: {  	_ =	shalt  }
0x75: {  	_ =	shalt  }
0x76: {  	_ =	shalt  }
0x77: {  	_ =	shalt  }
0x78: {  	_ =	shalt  }
0x79: {  	_ =	shalt  }
0x7a: {  	_ =	shalt  }
0x7b: {  	_ =	shalt  }
0x7c: {  	_ =	shalt  }
0x7d: {  	_ =	shalt  }
0x7e: {  	_ =	shalt  }
0x7f: {  	_ =	shalt  }
0x80: {  	_ =	shalt  }
0x81: {  	_ =	shalt  }
0x82: {  	_ =	shalt  }
0x83: {  	_ =	shalt  }
0x84: {  	_ =	shalt  }
0x85: {  	_ =	shalt  }
0x86: {  	_ =	shalt  }
0x87: {  	_ =	shalt  }
.Lfunc_end0:
.L_simem_size_0:
called_computation_lowered:
.L_overlay_start_0:
0x88: {  	s0 =	sld [smem:$0x3FD9]  }
0x89: {  	s1 =	sld [smem:$0x3FFE];
	_ =	sdelay $0x3  }
0x8a: {  	s0 =	sadd.s32 s1, s0  }
0x8b: {  	[smem:$0x3FC3] =	sst s0  }
0x8c: {  	_ = 	snop  }
0x8d: {  	s0 =	sld [smem:$0x3FC9]  }
0x8e: {  	s14 =	sld [smem:$0x3FC8]  }
0x8f: {  	s2 =	sld [smem:$0x3FD0]  }
0x90: {  	s3 =	sld [smem:$0x3FC7]  }
0x91: {  	s4 =	sld [smem:$0x3FC6]  }
0x92: {  	s6 =	simm.s32 $0xA;
	s7 =	simm.s32 $0x10;
	s5 =	sld [smem:$0x3FC5]  }
0x93: {  	[smem:s7], [sflag:s6] =	dma.local [hbm:s2], $0x1  }
0x94: {  	_ =	swait.eq [sflag:s6], $0x1  }
0x95: {  	s15 =	sld [smem:$0x10]  }
0x96: {  	s16 =	sld [smem:$0x11];
	[sflag:s6] =	ssyncset.done $0x0  }
0x97: {  	s8 =	sld [smem:$0x12];
	[sflag:s6] =	ssyncadd.s32 $0xFFFFFFFF  }
0x98: {  	s17 =	sld [smem:$0x13];
	(tm) =	ssettm $0x1  }
0x99: {  	s9 =	sld [smem:$0x3FFB];
	_ =	sdelay $0x3  }
0x9a: {  	_ =	strace s9  }
0x9b: {  	s9 =	sld [smem:$0x3FFC];
	_ =	sdelay $0x3  }
0x9c: {  	_ =	strace s9  }
0x9d: {  	s9 =	sld [smem:$0x3FFD];
	_ =	sdelay $0x3  }
0x9e: {  	_ =	strace s9  }
0x9f: {  	_ =	strace $0x8FFFFFFF  }
0xa0: {  	s18 =	sld [smem:$0x3FDB];
	_ =	sdelay $0x1  }
0xa1: {  	s10 =	simm.s32 $_scs_section_size  }
0xa2: {  	s11 =	simm.s32 $_size__tile_overlayer_lowered;
	s12 =	simm.s32 $_tile_overlayer_lowered  }
0xa3: {  	s21 =	simm.s32 $0x1BFF;
	s20 =	sshll.u32 s12, $0x1;
	s9 =	sadd.s32 s10, s18  }
0xa4: {  	s13 =	simm.s32 $0x0;
	s19 =	sshll.u32 s11, $0x1;
	s11 =	sadd.s32 s20, s9  }
0xa5: {  	[timem:s13], [sflag:s21] =	dma.local [hbm:s11], s19  }
0xa6: {  	_ =	swait.ge [sflag:s21], s19  }
0xa7: {  	s10 =	ssub.s32 $0x0, s19;
	[sflag:s21] =	ssyncset.done $0x0  }
0xa8: {  	[sflag:s21] =	ssyncadd.s32 s10;
	_ =	sdelay $0x1  }
0xa9: {  	s22 =	simm.s32 $0x1B8B  }
0xaa: {  	_ =	swait.ge [sflag:s22], $0x1  }
0xab: {  	[sflag:s22] =	ssyncset.done $0x0  }
0xac: {  	s23 =	simm.s32 $0x1B8E;
	[sflag:s22] =	ssyncadd.s32 $0xFFFFFFFF  }
0xad: {  	s24 =	simm.s32 $execute0_lowered;
	[smem:$0x3FD2] =	sst s23  }
0xae: {  	s10 =	sshll.u32 s24, $0x1;
	_ =	strace $0x80000046;
	[dreg:$0x1] =	wrdreg $0xFFFFFFFF  }
0xaf: {  	s25 =	simm.s32 $_size_execute0_lowered;
	s9 =	sadd.s32 s9, s10;
	[dreg:$0x0] =	wrdreg $0x0  }
0xb0: {  	s10 =	sshll.u32 s25, $0x1;
	[dreg:$0x2] =	wrdreg s9  }
0xb1: {  	[dreg:$0x3] =	wrdreg s10  }
0xb2: {  	[dreg:$0x4] =	wrdreg $0xC0  }
0xb3: {  	_ =	task [dreg:s13], $0x5FFFF  }
0xb4: {  	[dreg:$0x1] =	wrdreg $0xFFFFFFFF  }
0xb5: {  	[dreg:$0x0] =	wrdreg $0x60  }
0xb6: {  	[dreg:$0x2] =	wrdreg s0  }
0xb7: {  	[dreg:$0x3] =	wrdreg s14  }
0xb8: {  	[dreg:$0x4] =	wrdreg s3  }
0xb9: {  	[dreg:$0x5] =	wrdreg s4  }
0xba: {  	[dreg:$0x6] =	wrdreg s5  }
0xbb: {  	[dreg:$0x7] =	wrdreg s15  }
0xbc: {  	[dreg:$0x8] =	wrdreg s16  }
0xbd: {  	[dreg:$0x9] =	wrdreg s8  }
0xbe: {  	[dreg:$0xa] =	wrdreg s17  }
0xbf: {  	[dreg:$0xb] =	wrdreg $0x9  }
0xc0: {  	_ =	task.clear_ibuf [dreg:s13], $0xCFFFF;
	_ =	strace $0x90000046  }
0xc1: {  	s26 =	simm.s32 $0x9;
	_ =	strace $0x80000048  }
0xc2: {  	_ =	swait.ge [sflag:s26], $0x1  }
0xc3: {  	[sflag:s26] =	ssyncadd.s32 $0xFFFFFFFF  }
0xc4: {  	_ =	strace $0x90000048  }
0xc5: {  	_ =	sfence  }
0xc6: {  	s28 =	sld [smem:$0x0];
	_ =	sdelay $0x1  }
0xc7: {  	s29 =	srdreg.scid  }
0xc8: {  	s30 =	sshll.u32 s29, $0xD;
	s31 =	sshrl.u32 s29, $0x2  }
0xc9: {  	s1 =	sand.u32 $0x1, s29;
	s2 =	sand.u32 $0x4000, s30;
	s0 =	sadd.s32 s31, s28  }
0xca: {  	s1 =	sor.u32 s2, s1;
	s0 =	sshll.u32 s0, $0x11  }
0xcb: {  	s0 =	sor.u32 s0, s1  }
0xcc: {  	s0 =	sadd.s32 $0x8F2B, s0  }
0xcd: {  	[sflag:s0] =	ssyncadd.remote.s32 $0x1  }
0xce: {  	_ =	sfence.sel $0xFFFF  }
0xcf: {  	[dreg:$0x0] =	wrdreg $0xFFFFFFFF;
	(pc) =	sbr.abs _section_cstart, $3  }
0xd0: {  	[dreg:$0x1] =	wrdreg $0xFFFFFFFF  }
0xd1: {  	_ =	task.clear_ibuf [dreg:s13], $0x2FFFF;
	_ =	strace $0x9FFFFFFF  }
0xd2: {  	(tm) =	ssettm $0x7FFFFFFF  }
0xd3: {  	_ =	shalt  }
tec
execute0_lowered:
.L_overlay_start_1:
0x0: {  	(tag) =	ssettag $0x1  }
0x1: {  	s7 =	rddreg [dreg:$0x0]  }
0x2: {  	s8 =	rddreg [dreg:$0x1]  }
0x3: {  	s11 =	rddreg [dreg:$0x2]  }
0x4: {  	s12 =	rddreg [dreg:$0x3]  }
0x5: {  	s13 =	rddreg [dreg:$0x4]  }
0x6: {  	s6 =	rddreg [dreg:$0x5]  }
0x7: {  	s4 =	rddreg [dreg:$0x6]  }
0x8: {  	s3 =	rddreg [dreg:$0x7]  }
0x9: {  	s2 =	rddreg [dreg:$0x8];
	s14 =	simm.s32 $0x0;
	s1 =	stileid.u32  }
0xa: {  	[smem:$0x7FF] =	sst s14;
	s5 =	sshll.u32 s1, $0x7  }
0xb: {  	s0 =	rddreg [dreg:$0x9];
	_ =	strace $0x80000047;
	s7 =	sadd.s32 s7, s5  }
0xc: {  	[tilespmem:s14], [sflag:$0x2] =	stream.linear.gather [hbm4b:s7+s14], $0x400, $0x38;
	[tilespmem:$0x1600] =	vst v63  }
0xd: {  	s10 =	simm.s32 $0x400  }
0xe: {  	[tilespmem:s10], [sflag:$0x1] =	stream.linear.gather [hbm4b:s8+s14], $0x19, $0x38;
	[tilespmem:$0x1600] =	vst v63  }
0xf: {  	s9 =	simm.s32 $0x480  }
0x10: {  	[tilespmem:s9], [sflag:$0x1] =	stream.linear.gather [hbm4b:s11+s14], $0x19, $0x38;
	[tilespmem:$0x1600] =	vst v63  }
0x11: {  	s8 =	simm.s32 $0x500  }
0x12: {  	[tilespmem:s8], [sflag:$0x1] =	stream.linear.gather [hbm4b:s12+s14], $0x19, $0x38;
	[tilespmem:$0x1600] =	vst v63  }
0x13: {  	s24 =	simm.s32 $0x1;
	s7 =	simm.s32 $0x580  }
0x14: {  	[tilespmem:s7], [sflag:$0x1] =	stream.linear.gather [hbm4b:s13+s14], $0x19, $0x38;
	[tilespmem:$0x1600] =	vst v63  }
0x15: {  	_ =	swait.ge [sflag:s24], $0x19  }
0x16: {  	[sflag:s24] =	ssyncset.done $0x0  }
0x17: {  	[sflag:s24] =	ssyncadd.s32 $0xFFFFFFE7  }
0x18: {  	_ =	swait.ge [sflag:s24], $0x19  }
0x19: {  	[sflag:s24] =	ssyncset.done $0x0  }
0x1a: {  	[sflag:s24] =	ssyncadd.s32 $0xFFFFFFE7  }
0x1b: {  	_ =	swait.ge [sflag:s24], $0x19  }
0x1c: {  	[sflag:s24] =	ssyncset.done $0x0  }
0x1d: {  	[sflag:s24] =	ssyncadd.s32 $0xFFFFFFE7  }
0x1e: {  	_ =	swait.ge [sflag:s24], $0x19  }
0x1f: {  	[sflag:s24] =	ssyncset.done $0x0  }
0x20: {  	[sflag:s24] =	ssyncadd.s32 $0xFFFFFFE7  }
0x21: {  	v0 =	vld [tilespmem:$0x400];
	_ =	sdelay $0x4  }
0x22: {  	v0 =	vadd.f32 v0, v0;
	_ =	sdelay $0x1  }
0x23: {  	v0 =	vmul.f32 $1.442695020e+00, v0;
	_ =	sdelay $0x1  }
0x24: {  	(erf) = vpow2.f32 v0;
	_ =	sdelay $0x3  }
0x25: {  	v0 =	vld [tilespmem:$0x410];
	_ =	sdelay $0x4  }
0x26: {  	v0 =	vadd.f32 v0, v0;
	v1 =	vpop (erf)  }
0x27: {  	v1 =	vadd.f32 $1.000000000e+00, v1  }
0x28: {  	v0 =	vmul.f32 $1.442695020e+00, v0  }
0x29: {  	(erf) = vrcp.f32 v1  }
0x2a: {  	(erf) = vpow2.f32 v0;
	_ =	sdelay $0x3  }
0x2b: {  	v0 =	vld [tilespmem:$0x480];
	_ =	sdelay $0x3  }
0x2c: {  	v1 =	vpop (erf)  }
0x2d: {  	v0 =	vadd.f32 v0, v0;
	v2 =	vpop (erf)  }
0x2e: {  	v2 =	vadd.f32 $1.000000000e+00, v2  }
0x2f: {  	v0 =	vmul.f32 $1.442695020e+00, v0  }
0x30: {  	(erf) = vrcp.f32 v2  }
0x31: {  	(erf) = vpow2.f32 v0;
	_ =	sdelay $0x3  }
0x32: {  	v0 =	vld [tilespmem:$0x490];
	_ =	sdelay $0x3  }
0x33: {  	v2 =	vpop (erf)  }
0x34: {  	v0 =	vadd.f32 v0, v0;
	v3 =	vpop (erf)  }
0x35: {  	v3 =	vadd.f32 $1.000000000e+00, v3  }
0x36: {  	v0 =	vmul.f32 $1.442695020e+00, v0  }
0x37: {  	(erf) = vrcp.f32 v3  }
0x38: {  	(erf) = vpow2.f32 v0;
	_ =	sdelay $0x3  }
0x39: {  	v0 =	vld [tilespmem:$0x500];
	_ =	sdelay $0x3  }
0x3a: {  	v3 =	vpop (erf)  }
0x3b: {  	v0 =	vadd.f32 v0, v0;
	v4 =	vpop (erf)  }
0x3c: {  	v4 =	vadd.f32 $1.000000000e+00, v4  }
0x3d: {  	v0 =	vmul.f32 $1.442695020e+00, v0  }
0x3e: {  	(erf) = vrcp.f32 v4  }
0x3f: {  	(erf) = vpow2.f32 v0;
	_ =	sdelay $0x3  }
0x40: {  	v0 =	vld [tilespmem:$0x510];
	_ =	sdelay $0x3  }
0x41: {  	v4 =	vpop (erf)  }
0x42: {  	v0 =	vadd.f32 v0, v0;
	v5 =	vpop (erf)  }
0x43: {  	v5 =	vadd.f32 $1.000000000e+00, v5  }
0x44: {  	v0 =	vmul.f32 $1.442695020e+00, v0  }
0x45: {  	(erf) = vrcp.f32 v5  }
0x46: {  	(erf) = vpow2.f32 v0;
	_ =	sdelay $0x3  }
0x47: {  	v0 =	vld [tilespmem:$0x580];
	_ =	sdelay $0x3  }
0x48: {  	v5 =	vpop (erf)  }
0x49: {  	v0 =	vadd.f32 v0, v0;
	v6 =	vpop (erf)  }
0x4a: {  	v6 =	vadd.f32 $1.000000000e+00, v6  }
0x4b: {  	v0 =	vmul.f32 $1.442695020e+00, v0  }
0x4c: {  	(erf) = vrcp.f32 v6  }
0x4d: {  	(erf) = vpow2.f32 v0;
	_ =	sdelay $0x3  }
0x4e: {  	v0 =	vld [tilespmem:$0x590];
	_ =	sdelay $0x3  }
0x4f: {  	v6 =	vpop (erf)  }
0x50: {  	v0 =	vadd.f32 v0, v0;
	v7 =	vpop (erf)  }
0x51: {  	v7 =	vadd.f32 $1.000000000e+00, v7  }
0x52: {  	v0 =	vmul.f32 $1.442695020e+00, v0  }
0x53: {  	(erf) = vrcp.f32 v7  }
0x54: {  	(erf) = vpow2.f32 v0;
	_ =	sdelay $0x7  }
0x55: {  	v0 =	vpop (erf)  }
0x56: {  	v7 =	vpop (erf)  }
0x57: {  	v7 =	vadd.f32 $1.000000000e+00, v7  }
0x58: {  	v1 =	vadd.f32 v1, v1  }
0x59: {  	v2 =	vadd.f32 v2, v2;
	(erf) = vrcp.f32 v7  }
0x5a: {  	v1 =	vsub.f32 $1.000000000e+00, v1  }
0x5b: {  	v2 =	vsub.f32 $1.000000000e+00, v2  }
0x5c: {  	v1 =	vmul.f32 $2.000000030e-01, v1  }
0x5d: {  	v2 =	vmul.f32 $2.000000030e-01, v2  }
0x5e: {  	v1 =	vadd.f32 $1.000000000e+00, v1;
	v3 =	vadd.f32 v3, v3  }
0x5f: {  	v2 =	vadd.f32 $1.000000000e+00, v2;
	v4 =	vadd.f32 v4, v4  }
0x60: {  	v3 =	vsub.f32 $1.000000000e+00, v3;
	v5 =	vadd.f32 v5, v5  }
0x61: {  	v4 =	vsub.f32 $1.000000000e+00, v4;
	v6 =	vadd.f32 v6, v6  }
0x62: {  	v1 =	vmul.f32 $1.399999980e+00, v1;
	v5 =	vsub.f32 $1.000000000e+00, v5;
	v0 =	vadd.f32 v0, v0;
	v7 =	vpop (erf)  }
0x63: {  	v2 =	vmul.f32 $1.399999980e+00, v2;
	v6 =	vsub.f32 $1.000000000e+00, v6;
	v7 =	vadd.f32 v7, v7  }
0x64: {  	v3 =	vmul.f32 $2.000000030e-01, v3;
	v5 =	vmul.f32 $2.000000030e-01, v5;
	v0 =	vsub.f32 $1.000000000e+00, v0  }
0x65: {  	v4 =	vmul.f32 $2.000000030e-01, v4;
	v6 =	vmul.f32 $2.000000030e-01, v6;
	v7 =	vsub.f32 $1.000000000e+00, v7  }
0x66: {  	v3 =	vadd.f32 $1.000000000e+00, v3;
	v5 =	vadd.f32 $1.000000000e+00, v5;
	v0 =	vmul.f32 $2.000000030e-01, v0  }
0x67: {  	v4 =	vadd.f32 $1.000000000e+00, v4;
	v6 =	vadd.f32 $1.000000000e+00, v6;
	v7 =	vmul.f32 $2.000000030e-01, v7  }
0x68: {  	[tilespmem:$0x400] =	vst v1;
	v1 =	vmul.f32 $1.600000020e+00, v3;
	v3 =	vmul.f32 $8.999999760e-01, v5;
	v0 =	vadd.f32 $1.000000000e+00, v0  }
0x69: {  	[tilespmem:$0x410] =	vst v2;
	v2 =	vmul.f32 $1.600000020e+00, v4;
	v4 =	vmul.f32 $8.999999760e-01, v6;
	v5 =	vadd.f32 $1.000000000e+00, v7  }
0x6a: {  	[tilespmem:$0x480] =	vst v1;
	v1 =	vmax.f32 v3, $5.000000070e-02;
	v0 =	vmul.f32 $2.000000030e-01, v0  }
0x6b: {  	[tilespmem:$0x490] =	vst v2;
	v1 =	vmin.f32 v1, $1.000000000e+00;
	v2 =	vmax.f32 v4, $5.000000070e-02;
	v3 =	vmul.f32 $2.000000030e-01, v5  }
0x6c: {  	[tilespmem:$0x500] =	vst v1;
	v1 =	vmin.f32 v2, $1.000000000e+00;
	v0 =	vmax.f32 v0, $5.000000070e-02  }
0x6d: {  	[tilespmem:$0x510] =	vst v1;
	v0 =	vmin.f32 v0, $1.000000000e+00;
	v1 =	vmax.f32 v3, $5.000000070e-02  }
0x6e: {  	[tilespmem:$0x580] =	vst v0;
	v0 =	vmin.f32 v1, $1.000000000e+00  }
0x6f: {  	s25 =	simm.s32 $0x2;
	[tilespmem:$0x590] =	vst v0  }
0x70: {  	_ =	swait.ge [sflag:s25], $0x400  }
0x71: {  	[sflag:s25] =	ssyncset.done $0x0  }
0x72: {  	s26 =	simm.s32 $0x40;
	[sflag:s25] =	ssyncadd.s32 $0xFFFFFC00  }
0x73: {  	v0 =	vld [tilespmem:s26+$0x30]  }
0x74: {  	v1 =	vld [tilespmem:s26+$0xFFFFFFD0]  }
0x75: {  	v2 =	vld [tilespmem:s26+$0xFFFFFFE0]  }
0x76: {  	v3 =	vld [tilespmem:s26+$0xFFFFFFF0]  }
0x77: {  	v4 =	vld [tilespmem:s26+$0x0]  }
0x78: {  	v5 =	vld [tilespmem:s26+$0x10]  }
0x79: {  	v6 =	vld [tilespmem:s26+$0x20]  }
0x7a: {  	v7 =	vld [tilespmem:s26+$0xFFFFFFC0]  }
0x7b: {  	v0 =	vcvt.s32.f32 v0  }
0x7c: {  	v1 =	vcvt.s32.f32 v1;
	v2 =	vcvt.s32.f32 v2  }
0x7d: {  	v3 =	vcvt.s32.f32 v3;
	v4 =	vcvt.s32.f32 v4  }
0x7e: {  	v5 =	vcvt.s32.f32 v5;
	v6 =	vcvt.s32.f32 v6  }
0x7f: {  	v7 =	vcvt.s32.f32 v7;
	v0 =	vmul.f32 $2.402402460e-02, v0  }
0x80: {  	v1 =	vmul.f32 $2.402402460e-02, v1;
	v2 =	vmul.f32 $2.402402460e-02, v2  }
0x81: {  	v3 =	vmul.f32 $2.402402460e-02, v3;
	v4 =	vmul.f32 $2.402402460e-02, v4  }
0x82: {  	v5 =	vmul.f32 $2.402402460e-02, v5;
	v6 =	vmul.f32 $2.402402460e-02, v6  }
0x83: {  	v0 =	vtrunc.f32 v0;
	v1 =	vtrunc.f32 v1  }
0x84: {  	v2 =	vtrunc.f32 v2;
	v3 =	vtrunc.f32 v3  }
0x85: {  	v4 =	vtrunc.f32 v4;
	v0 =	vcvt.f32.s32 v0  }
0x86: {  	v5 =	vtrunc.f32 v5;
	v6 =	vtrunc.f32 v6  }
0x87: {  	v1 =	vcvt.f32.s32 v1;
	v2 =	vcvt.f32.s32 v2;
	vm0 =	vgt.s32 v0, $0x0  }
0x88: {  	v3 =	vcvt.f32.s32 v3;
	v4 =	vcvt.f32.s32 v4;
	v0 =	vnsel vm0, $0x0, v0  }
0x89: {  	s31 =	simm.s32 $0xC0;
	v5 =	vcvt.f32.s32 v5;
	vm1 =	vgt.s32 v1, $0x0;
	v0 =	vmin.u32 v0, $0x18  }
0x8a: {  	v16 =	vld [tilespmem:s31+$0x30];
	v6 =	vcvt.f32.s32 v6;
	vm15 =	vgt.s32 v2, $0x0;
	v1 =	vnsel vm1, $0x0, v1  }
0x8b: {  	v17 =	vld [tilespmem:s31+$0xFFFFFFE0];
	vm4 =	vgt.s32 v3, $0x0;
	v2 =	vnsel vm15, $0x0, v2;
	v1 =	vmin.u32 v1, $0x18  }
0x8c: {  	v18 =	vld [tilespmem:s31+$0xFFFFFFF0];
	vm5 =	vgt.s32 v4, $0x0;
	v3 =	vnsel vm4, $0x0, v3;
	v2 =	vmin.u32 v2, $0x18  }
0x8d: {  	v19 =	vld [tilespmem:s31+$0x0];
	v7 =	vmul.f32 $2.402402460e-02, v7;
	v4 =	vnsel vm5, $0x0, v4;
	v9 =	vmin.u32 v3, $0x18  }
0x8e: {  	vm6 =	vgt.s32 v5, $0x0;
	vm7 =	vgt.s32 v6, $0x0;
	v4 =	vmin.u32 v4, $0x18;
	v8 =	vld.idx.msk [tilespmem:v0+s10+$0x0], $0xffff  }
0x8f: {  	v20 =	vld [tilespmem:s31+$0x10];
	v7 =	vtrunc.f32 v7;
	v6 =	vnsel vm7, $0x0, v6;
	v3 =	vnsel vm6, $0x0, v5  }
0x90: {  	v7 =	vcvt.f32.s32 v7;
	v6 =	vmin.u32 v6, $0x18;
	v10 =	vmin.u32 v3, $0x18;
	v3 =	vld.idx.msk [tilespmem:v1+s10+$0x0], $0xffff  }
0x91: {  	v11 =	vld.idx.msk [tilespmem:v2+s10+$0x0], $0xffff  }
0x92: {  	s28 =	simm.s32 $0x640;
	vm14 =	vgt.s32 v7, $0x0;
	v12 =	vld.idx.msk [tilespmem:v9+s10+$0x0], $0xffff  }
0x93: {  	v7 =	vnsel vm14, $0x0, v7;
	v13 =	vld.idx.msk [tilespmem:v4+s10+$0x0], $0xffff;
	[tilespmem:s28+$0x30] =	vst v8  }
0x94: {  	v8 =	vmin.u32 v7, $0x18;
	v7 =	vld.idx.msk [tilespmem:v0+s9+$0x0], $0xffff  }
0x95: {  	v15 =	vld.idx.msk [tilespmem:v6+s10+$0x0], $0xffff  }
0x96: {  	v14 =	vld.idx.msk [tilespmem:v10+s10+$0x0], $0xffff  }
0x97: {  	[tilespmem:s28+$0xFFFFFFD0] =	vst v3;
	v3 =	vld [tilespmem:s31+$0xFFFFFFC0]  }
0x98: {  	s29 =	simm.s32 $0xA40;
	[tilespmem:s28+$0xFFFFFFE0] =	vst v11;
	v52 =	vld.idx.msk [tilespmem:v1+s9+$0x0], $0xffff  }
0x99: {  	v5 =	vld.idx.msk [tilespmem:v8+s10+$0x0], $0xffff;
	[tilespmem:s29+$0x30] =	vst v7  }
0x9a: {  	[tilespmem:s28+$0xFFFFFFF0] =	vst v12;
	v7 =	vld.idx.msk [tilespmem:v0+s8+$0x0], $0xffff  }
0x9b: {  	[tilespmem:s28+$0x0] =	vst v13;
	v13 =	vld.idx.msk [tilespmem:v2+s9+$0x0], $0xffff  }
0x9c: {  	[tilespmem:s28+$0x10] =	vst v14;
	v14 =	vld.idx.msk [tilespmem:v9+s9+$0x0], $0xffff  }
0x9d: {  	v16 =	vcvt.s32.f32 v16;
	[tilespmem:s28+$0x20] =	vst v15;
	v15 =	vld.idx.msk [tilespmem:v4+s9+$0x0], $0xffff  }
0x9e: {  	s30 =	simm.s32 $0xE40;
	v53 =	vld.idx.msk [tilespmem:v10+s9+$0x0], $0xffff;
	[tilespmem:s28+$0xFFFFFFC0] =	vst v5  }
0x9f: {  	v16 =	vmul.f32 $2.402402460e-02, v16;
	[tilespmem:s30+$0x30] =	vst v7;
	v7 =	vld [tilespmem:s31+$0xFFFFFFD0]  }
0xa0: {  	v54 =	vcvt.s32.f32 v20;
	v11 =	vld.idx.msk [tilespmem:v8+s9+$0x0], $0xffff  }
0xa1: {  	v12 =	vtrunc.f32 v16;
	v3 =	vcvt.s32.f32 v3;
	[tilespmem:s29+$0xFFFFFFD0] =	vst v52;
	v5 =	vld [tilespmem:s31+$0x20]  }
0xa2: {  	v18 =	vcvt.s32.f32 v18;
	v12 =	vcvt.f32.s32 v12;
	[tilespmem:s29+$0xFFFFFFE0] =	vst v13;
	v0 =	vld.idx.msk [tilespmem:v0+s7+$0x0], $0xffff  }
0xa3: {  	[tilespmem:s29+$0xFFFFFFF0] =	vst v14;
	v14 =	vmul.f32 $2.402402460e-02, v54;
	v16 =	vld.idx.msk [tilespmem:v1+s8+$0x0], $0xffff;
	v3 =	vmul.f32 $2.402402460e-02, v3  }
0xa4: {  	vm8 =	vgt.s32 v12, $0x0;
	v13 =	vmul.f32 $2.402402460e-02, v18;
	v56 =	vld.idx.msk [tilespmem:v2+s8+$0x0], $0xffff;
	v7 =	vcvt.s32.f32 v7  }
0xa5: {  	v12 =	vnsel vm8, $0x0, v12;
	v14 =	vtrunc.f32 v14;
	v3 =	vtrunc.f32 v3;
	[tilespmem:s29+$0xFFFFFFC0] =	vst v11;
	v11 =	vld.idx.msk [tilespmem:v6+s9+$0x0], $0xffff  }
0xa6: {  	s11 =	simm.s32 $0x1240;
	[tilespmem:s29+$0x0] =	vst v15;
	v57 =	vld.idx.msk [tilespmem:v9+s8+$0x0], $0xffff;
	v14 =	vcvt.f32.s32 v14;
	v21 =	vmul.f32 $2.402402460e-02, v7;
	v7 =	vmin.u32 v12, $0x18  }
0xa7: {  	v59 =	vld.idx.msk [tilespmem:v4+s8+$0x0], $0xffff;
	v5 =	vcvt.s32.f32 v5;
	[tilespmem:s11+$0x30] =	vst v0;
	v0 =	vcvt.s32.f32 v17  }
0xa8: {  	v3 =	vcvt.f32.s32 v3;
	[tilespmem:s30+$0xFFFFFFD0] =	vst v16;
	v55 =	vld.idx.msk [tilespmem:v8+s8+$0x0], $0xffff;
	v12 =	vcvt.s32.f32 v19  }
0xa9: {  	[tilespmem:s29+$0x10] =	vst v53;
	v62 =	vld.idx.msk [tilespmem:v1+s7+$0x0], $0xffff;
	v5 =	vmul.f32 $2.402402460e-02, v5;
	v0 =	vmul.f32 $2.402402460e-02, v0  }
0xaa: {  	v12 =	vmul.f32 $2.402402460e-02, v12;
	[tilespmem:s29+$0x20] =	vst v11;
	v11 =	vtrunc.f32 v13;
	v13 =	vld.idx.msk [tilespmem:v10+s8+$0x0], $0xffff  }
0xab: {  	[tilespmem:s30+$0xFFFFFFE0] =	vst v56;
	v58 =	vtrunc.f32 v21;
	v0 =	vtrunc.f32 v0;
	v15 =	vld.idx.msk [tilespmem:v7+s10+$0x0], $0xffff  }
0xac: {  	[tilespmem:s30+$0xFFFFFFF0] =	vst v57;
	v60 =	vld.idx.msk [tilespmem:v6+s8+$0x0], $0xffff;
	v17 =	vcvt.f32.s32 v58;
	v1 =	vcvt.f32.s32 v11  }
0xad: {  	vm9 =	vgt.s32 v3, $0x0;
	[tilespmem:s30+$0xFFFFFFC0] =	vst v55;
	v11 =	vld.idx.msk [tilespmem:v2+s7+$0x0], $0xffff;
	v12 =	vtrunc.f32 v12;
	v61 =	vcvt.f32.s32 v0  }
0xae: {  	[tilespmem:s30+$0x0] =	vst v59;
	v8 =	vld.idx.msk [tilespmem:v8+s7+$0x0], $0xffff;
	v0 =	vnsel vm9, $0x0, v3;
	vm10 =	vgt.s32 v17, $0x0;
	v2 =	vcvt.f32.s32 v12  }
0xaf: {  	s12 =	simm.s32 $0x6C0;
	v9 =	vld.idx.msk [tilespmem:v9+s7+$0x0], $0xffff;
	v3 =	vmin.u32 v0, $0x18;
	v12 =	vnsel vm10, $0x0, v17;
	vm11 =	vgt.s32 v61, $0x0;
	[tilespmem:s30+$0x10] =	vst v13  }
0xb0: {  	vm12 =	vgt.s32 v1, $0x0;
	v0 =	vmin.u32 v12, $0x18;
	v12 =	vnsel vm11, $0x0, v61;
	v13 =	vld.idx.msk [tilespmem:v4+s7+$0x0], $0xffff;
	[tilespmem:s12+$0x30] =	vst v15  }
0xb1: {  	[tilespmem:s11+$0xFFFFFFD0] =	vst v62;
	v5 =	vtrunc.f32 v5;
	v4 =	vnsel vm12, $0x0, v1;
	v1 =	vmin.u32 v12, $0x18;
	v15 =	vld.idx.msk [tilespmem:v7+s9+$0x0], $0xffff  }
0xb2: {  	v5 =	vcvt.f32.s32 v5;
	vm13 =	vgt.s32 v2, $0x0;
	[tilespmem:s30+$0x20] =	vst v60;
	v12 =	vld.idx.msk [tilespmem:v10+s7+$0x0], $0xffff  }
0xb3: {  	vm14 =	vgt.s32 v14, $0x0;
	[tilespmem:s11+$0xFFFFFFC0] =	vst v8;
	v8 =	vnsel vm13, $0x0, v2;
	v2 =	vmin.u32 v4, $0x18;
	v16 =	vld.idx.msk [tilespmem:v6+s7+$0x0], $0xffff  }
0xb4: {  	[tilespmem:s11+$0xFFFFFFF0] =	vst v9;
	vm15 =	vgt.s32 v5, $0x0;
	v6 =	vnsel vm14, $0x0, v14;
	v4 =	vmin.u32 v8, $0x18;
	v14 =	vld.idx.msk [tilespmem:v3+s10+$0x0], $0xffff  }
0xb5: {  	s13 =	simm.s32 $0xAC0;
	[tilespmem:s11+$0xFFFFFFE0] =	vst v11;
	v8 =	vnsel vm15, $0x0, v5;
	v5 =	vmin.u32 v6, $0x18;
	v63 =	vld.idx.msk [tilespmem:v0+s10+$0x0], $0xffff  }
0xb6: {  	v6 =	vmin.u32 v8, $0x18;
	v11 =	vld.idx.msk [tilespmem:v1+s10+$0x0], $0xffff;
	[tilespmem:s13+$0x30] =	vst v15  }
0xb7: {  	[tilespmem:s11+$0x0] =	vst v13;
	v10 =	vld.idx.msk [tilespmem:v7+s8+$0x0], $0xffff  }
0xb8: {  	[tilespmem:s11+$0x10] =	vst v12;
	v8 =	vld.idx.msk [tilespmem:v2+s10+$0x0], $0xffff  }
0xb9: {  	[tilespmem:s11+$0x20] =	vst v16;
	v9 =	vld.idx.msk [tilespmem:v4+s10+$0x0], $0xffff  }
0xba: {  	[tilespmem:s12+$0xFFFFFFC0] =	vst v14;
	v12 =	vld.idx.msk [tilespmem:v5+s10+$0x0], $0xffff  }
0xbb: {  	s15 =	simm.s32 $0x80;
	s16 =	simm.s32 $0x140;
	s14 =	simm.s32 $0xEC0;
	v13 =	vld.idx.msk [tilespmem:v6+s10+$0x0], $0xffff;
	[tilespmem:s12+$0xFFFFFFD0] =	vst v63  }
.LBB2_1:
0xbc: {  	v14 =	vld [tilespmem:s16+$0x30];
	[tilespmem:s14+$0x30] =	vst v10  }
0xbd: {  	s15 =	sadd.s32 $0x80, s15;
	[tilespmem:s12+$0xFFFFFFE0] =	vst v11;
	v7 =	vld.idx.msk [tilespmem:v7+s7+$0x0], $0xffff  }
0xbe: {  	p0 =	slt.u32 s15, $0x380;
	v10 =	vld [tilespmem:s16+$0xFFFFFFD0];
	[tilespmem:s12+$0xFFFFFFF0] =	vst v8  }
0xbf: {  	v8 =	vld [tilespmem:s16+$0xFFFFFFE0];
	[tilespmem:s12+$0x0] =	vst v9  }
0xc0: {  	v9 =	vld [tilespmem:s16+$0xFFFFFFF0];
	[tilespmem:s12+$0x10] =	vst v12  }
0xc1: {  	v11 =	vld [tilespmem:s16+$0x0];
	[tilespmem:s12+$0x20] =	vst v13  }
0xc2: {  	s11 =	sadd.s32 $0x80, s11;
	v13 =	vcvt.s32.f32 v14;
	v12 =	vld [tilespmem:s16+$0x10]  }
0xc3: {  	v10 =	vcvt.s32.f32 v10;
	v14 =	vld [tilespmem:s16+$0x20];
	[tilespmem:s11+$0x30] =	vst v7  }
0xc4: {  	v13 =	vmul.f32 $2.402402460e-02, v13;
	v7 =	vld [tilespmem:s16+$0xFFFFFFC0];
	v8 =	vcvt.s32.f32 v8  }
0xc5: {  	v10 =	vmul.f32 $2.402402460e-02, v10;
	v9 =	vcvt.s32.f32 v9;
	v15 =	vld.idx.msk [tilespmem:v3+s9+$0x0], $0xffff  }
0xc6: {  	v13 =	vtrunc.f32 v13;
	v11 =	vcvt.s32.f32 v11;
	v16 =	vld.idx.msk [tilespmem:v0+s9+$0x0], $0xffff  }
0xc7: {  	v13 =	vcvt.f32.s32 v13;
	v12 =	vcvt.s32.f32 v12;
	v17 =	vld.idx.msk [tilespmem:v1+s9+$0x0], $0xffff  }
0xc8: {  	v8 =	vmul.f32 $2.402402460e-02, v8;
	v14 =	vcvt.s32.f32 v14;
	v18 =	vld.idx.msk [tilespmem:v2+s9+$0x0], $0xffff  }
0xc9: {  	v9 =	vmul.f32 $2.402402460e-02, v9;
	vm0 =	vgt.s32 v13, $0x0;
	v7 =	vcvt.s32.f32 v7;
	v19 =	vld.idx.msk [tilespmem:v4+s9+$0x0], $0xffff  }
0xca: {  	v11 =	vmul.f32 $2.402402460e-02, v11;
	v12 =	vmul.f32 $2.402402460e-02, v12;
	v13 =	vnsel vm0, $0x0, v13;
	v20 =	vld.idx.msk [tilespmem:v5+s9+$0x0], $0xffff  }
0xcb: {  	v14 =	vmul.f32 $2.402402460e-02, v14;
	v21 =	vmul.f32 $2.402402460e-02, v7;
	v7 =	vmin.u32 v13, $0x18;
	[tilespmem:s13+$0xFFFFFFC0] =	vst v15;
	v13 =	vld.idx.msk [tilespmem:v6+s9+$0x0], $0xffff  }
0xcc: {  	v10 =	vtrunc.f32 v10;
	v8 =	vtrunc.f32 v8;
	v15 =	vld.idx.msk [tilespmem:v3+s8+$0x0], $0xffff;
	[tilespmem:s13+$0xFFFFFFD0] =	vst v16  }
0xcd: {  	v9 =	vtrunc.f32 v9;
	v16 =	vtrunc.f32 v21;
	v21 =	vld.idx.msk [tilespmem:v0+s8+$0x0], $0xffff;
	[tilespmem:s13+$0xFFFFFFE0] =	vst v17  }
0xce: {  	v11 =	vtrunc.f32 v11;
	v12 =	vtrunc.f32 v12;
	v17 =	vld.idx.msk [tilespmem:v1+s8+$0x0], $0xffff;
	[tilespmem:s13+$0xFFFFFFF0] =	vst v18  }
0xcf: {  	v14 =	vtrunc.f32 v14;
	v16 =	vcvt.f32.s32 v16;
	v18 =	vld.idx.msk [tilespmem:v2+s8+$0x0], $0xffff;
	[tilespmem:s13+$0x0] =	vst v19  }
0xd0: {  	v10 =	vcvt.f32.s32 v10;
	v8 =	vcvt.f32.s32 v8;
	v19 =	vld.idx.msk [tilespmem:v7+s10+$0x0], $0xffff;
	[tilespmem:s13+$0x10] =	vst v20  }
0xd1: {  	v9 =	vcvt.f32.s32 v9;
	v11 =	vcvt.f32.s32 v11;
	vm0 =	vgt.s32 v16, $0x0;
	v20 =	vld.idx.msk [tilespmem:v4+s8+$0x0], $0xffff;
	[tilespmem:s13+$0x20] =	vst v13  }
0xd2: {  	vm1 =	vgt.s32 v10, $0x0;
	v12 =	vcvt.f32.s32 v12;
	v13 =	vcvt.f32.s32 v14;
	[tilespmem:s14+$0xFFFFFFC0] =	vst v15;
	v14 =	vld.idx.msk [tilespmem:v5+s8+$0x0], $0xffff  }
0xd3: {  	vm2 =	vgt.s32 v8, $0x0;
	vm3 =	vgt.s32 v9, $0x0;
	vm4 =	vgt.s32 v11, $0x0;
	[tilespmem:s14+$0xFFFFFFD0] =	vst v21;
	v15 =	vld.idx.msk [tilespmem:v6+s8+$0x0], $0xffff  }
0xd4: {  	v16 =	vnsel vm0, $0x0, v16;
	vm0 =	vgt.s32 v12, $0x0;
	vm5 =	vgt.s32 v13, $0x0;
	v21 =	vld.idx.msk [tilespmem:v3+s7+$0x0], $0xffff;
	[tilespmem:s14+$0xFFFFFFE0] =	vst v17  }
0xd5: {  	s12 =	sadd.s32 $0x80, s12;
	v10 =	vnsel vm1, $0x0, v10;
	v8 =	vnsel vm2, $0x0, v8;
	v9 =	vnsel vm3, $0x0, v9;
	v17 =	vld.idx.msk [tilespmem:v0+s7+$0x0], $0xffff;
	[tilespmem:s14+$0xFFFFFFF0] =	vst v18  }
0xd6: {  	v11 =	vnsel vm4, $0x0, v11;
	v12 =	vnsel vm0, $0x0, v12;
	v13 =	vnsel vm5, $0x0, v13;
	[tilespmem:s12+$0x30] =	vst v19;
	v18 =	vld.idx.msk [tilespmem:v1+s7+$0x0], $0xffff  }
0xd7: {  	v3 =	vmin.u32 v16, $0x18;
	v0 =	vmin.u32 v10, $0x18;
	v1 =	vmin.u32 v8, $0x18;
	v8 =	vld.idx.msk [tilespmem:v7+s9+$0x0], $0xffff;
	[tilespmem:s14+$0x0] =	vst v20  }
0xd8: {  	v10 =	vmin.u32 v11, $0x18;
	v11 =	vmin.u32 v12, $0x18;
	v12 =	vld.idx.msk [tilespmem:v2+s7+$0x0], $0xffff;
	v2 =	vmin.u32 v9, $0x18;
	[tilespmem:s14+$0x10] =	vst v14  }
0xd9: {  	v9 =	vmin.u32 v13, $0x18;
	v13 =	vld.idx.msk [tilespmem:v4+s7+$0x0], $0xffff;
	[tilespmem:s14+$0x20] =	vst v15;
	v4 =	vmov v10  }
0xda: {  	[tilespmem:s11+$0xFFFFFFC0] =	vst v21;
	v14 =	vld.idx.msk [tilespmem:v5+s7+$0x0], $0xffff;
	v5 =	vmov v11  }
0xdb: {  	[tilespmem:s11+$0xFFFFFFD0] =	vst v17;
	v15 =	vld.idx.msk [tilespmem:v6+s7+$0x0], $0xffff;
	v6 =	vmov v9  }
0xdc: {  	s13 =	sadd.s32 $0x80, s13;
	v16 =	vld.idx.msk [tilespmem:v3+s10+$0x0], $0xffff;
	[tilespmem:s11+$0xFFFFFFE0] =	vst v18  }
0xdd: {  	v17 =	vld.idx.msk [tilespmem:v0+s10+$0x0], $0xffff;
	[tilespmem:s13+$0x30] =	vst v8  }
0xde: {  	v10 =	vld.idx.msk [tilespmem:v7+s8+$0x0], $0xffff;
	[tilespmem:s11+$0xFFFFFFF0] =	vst v12  }
.Ltmp0:
0xdf: {  	v11 =	vld.idx.msk [tilespmem:v1+s10+$0x0], $0xffff;
	[tilespmem:s11+$0x0] =	vst v13;
	(pc) =	sbr.rel @p0 .LBB2_1-.Ltmp0, $4  }
0xe0: {  	v8 =	vld.idx.msk [tilespmem:v2+s10+$0x0], $0xffff;
	[tilespmem:s11+$0x10] =	vst v14  }
0xe1: {  	v9 =	vld.idx.msk [tilespmem:v4+s10+$0x0], $0xffff;
	[tilespmem:s11+$0x20] =	vst v15  }
0xe2: {  	[tilespmem:s12+$0xFFFFFFC0] =	vst v16;
	v12 =	vld.idx.msk [tilespmem:v5+s10+$0x0], $0xffff  }
0xe3: {  	s16 =	sadd.s32 $0x80, s16;
	s14 =	sadd.s32 $0x80, s14;
	[tilespmem:s12+$0xFFFFFFD0] =	vst v17;
	v13 =	vld.idx.msk [tilespmem:v6+s10+$0x0], $0xffff  }
0xe4: {  	_ =	sdelay $0x2  }
0xe5: {  	[tilespmem:s14+$0x30] =	vst v10  }
0xe6: {  	[tilespmem:s12+$0xFFFFFFE0] =	vst v11;
	v44 =	vld.idx.msk [tilespmem:v3+s9+$0x0], $0xffff  }
0xe7: {  	v45 =	vld.idx.msk [tilespmem:v0+s9+$0x0], $0xffff;
	[tilespmem:s12+$0xFFFFFFF0] =	vst v8  }
0xe8: {  	v7 =	vld.idx.msk [tilespmem:v7+s7+$0x0], $0xffff;
	[tilespmem:s12+$0x0] =	vst v9  }
0xe9: {  	v46 =	vld.idx.msk [tilespmem:v1+s9+$0x0], $0xffff;
	[tilespmem:s12+$0x10] =	vst v12  }
0xea: {  	v47 =	vld.idx.msk [tilespmem:v2+s9+$0x0], $0xffff;
	[tilespmem:s12+$0x20] =	vst v13  }
0xeb: {  	v48 =	vld.idx.msk [tilespmem:v4+s9+$0x0], $0xffff;
	[tilespmem:s13+$0xFFFFFFC0] =	vst v44  }
0xec: {  	s10 =	sadd.s32 $0x80, s11;
	v12 =	vld.idx.msk [tilespmem:v5+s9+$0x0], $0xffff;
	[tilespmem:s13+$0xFFFFFFD0] =	vst v45  }
0xed: {  	v49 =	vld.idx.msk [tilespmem:v6+s9+$0x0], $0xffff;
	[tilespmem:s10+$0x30] =	vst v7  }
0xee: {  	v50 =	vld.idx.msk [tilespmem:v3+s8+$0x0], $0xffff;
	[tilespmem:s13+$0xFFFFFFE0] =	vst v46  }
0xef: {  	v51 =	vld.idx.msk [tilespmem:v0+s8+$0x0], $0xffff;
	[tilespmem:s13+$0xFFFFFFF0] =	vst v47  }
0xf0: {  	v52 =	vld.idx.msk [tilespmem:v1+s8+$0x0], $0xffff;
	[tilespmem:s13+$0x0] =	vst v48  }
0xf1: {  	v53 =	vld.idx.msk [tilespmem:v2+s8+$0x0], $0xffff;
	[tilespmem:s13+$0x10] =	vst v12  }
0xf2: {  	v54 =	vld.idx.msk [tilespmem:v4+s8+$0x0], $0xffff;
	[tilespmem:s13+$0x20] =	vst v49  }
0xf3: {  	v55 =	vld.idx.msk [tilespmem:v5+s8+$0x0], $0xffff;
	[tilespmem:s14+$0xFFFFFFC0] =	vst v50  }
0xf4: {  	[tilespmem:s14+$0xFFFFFFD0] =	vst v51;
	v56 =	vld.idx.msk [tilespmem:v6+s8+$0x0], $0xffff  }
0xf5: {  	v57 =	vld.idx.msk [tilespmem:v3+s7+$0x0], $0xffff;
	[tilespmem:s14+$0xFFFFFFE0] =	vst v52  }
0xf6: {  	v58 =	vld.idx.msk [tilespmem:v0+s7+$0x0], $0xffff;
	[tilespmem:s14+$0xFFFFFFF0] =	vst v53  }
0xf7: {  	v59 =	vld.idx.msk [tilespmem:v1+s7+$0x0], $0xffff;
	[tilespmem:s14+$0x0] =	vst v54  }
0xf8: {  	v60 =	vld.idx.msk [tilespmem:v2+s7+$0x0], $0xffff;
	[tilespmem:s14+$0x10] =	vst v55  }
0xf9: {  	v61 =	vld.idx.msk [tilespmem:v4+s7+$0x0], $0xffff;
	[tilespmem:s14+$0x20] =	vst v56  }
0xfa: {  	v62 =	vld.idx.msk [tilespmem:v5+s7+$0x0], $0xffff;
	[tilespmem:s10+$0xFFFFFFC0] =	vst v57  }
0xfb: {  	[tilespmem:s10+$0xFFFFFFD0] =	vst v58;
	v63 =	vld.idx.msk [tilespmem:v6+s7+$0x0], $0xffff  }
0xfc: {  	[tilespmem:s10+$0xFFFFFFE0] =	vst v59  }
0xfd: {  	[tilespmem:s10+$0xFFFFFFF0] =	vst v60  }
0xfe: {  	[tilespmem:s10+$0x0] =	vst v61  }
0xff: {  	[tilespmem:s10+$0x10] =	vst v62  }
0x100: {  	s6 =	sadd.s32 s6, s5;
	s25 =	simm.s32 $0x0;
	s26 =	simm.s32 $0x600;
	[tilespmem:s10+$0x20] =	vst v63  }
0x101: {  	[hbm4b:s6+s25] =	stream.linear.scatter [tilespmem:s26], [sflag:$0x1], $0x400, $0x38;
	[tilespmem:$0x1600] =	vst v63  }
0x102: {  	s4 =	sadd.s32 s4, s5;
	s28 =	simm.s32 $0xA00  }
0x103: {  	[hbm4b:s4+s25] =	stream.linear.scatter [tilespmem:s28], [sflag:$0x1], $0x400, $0x38;
	[tilespmem:$0x1600] =	vst v63  }
0x104: {  	s3 =	sadd.s32 s3, s5;
	s29 =	simm.s32 $0xE00  }
0x105: {  	[hbm4b:s3+s25] =	stream.linear.scatter [tilespmem:s29], [sflag:$0x1], $0x400, $0x38;
	[tilespmem:$0x1600] =	vst v63  }
0x106: {  	s2 =	sadd.s32 s2, s5;
	s30 =	simm.s32 $0x1200;
	s31 =	simm.s32 $0x1  }
0x107: {  	[hbm4b:s2+s25] =	stream.linear.scatter [tilespmem:s30], [sflag:$0x1], $0x400, $0x38;
	[tilespmem:$0x1600] =	vst v63  }
0x108: {  	_ =	swait.ge [sflag:s31], $0x400  }
0x109: {  	[sflag:s31] =	ssyncset.done $0x0  }
0x10a: {  	[sflag:s31] =	ssyncadd.s32 $0xFFFFFC00  }
0x10b: {  	_ =	swait.ge [sflag:s31], $0x400  }
0x10c: {  	[sflag:s31] =	ssyncset.done $0x0  }
0x10d: {  	[sflag:s31] =	ssyncadd.s32 $0xFFFFFC00  }
0x10e: {  	_ =	swait.ge [sflag:s31], $0x400  }
0x10f: {  	[sflag:s31] =	ssyncset.done $0x0  }
0x110: {  	[sflag:s31] =	ssyncadd.s32 $0xFFFFFC00  }
0x111: {  	_ =	swait.ge [sflag:s31], $0x400  }
0x112: {  	[sflag:s31] =	ssyncset.done $0x0  }
0x113: {  	[sflag:s31] =	ssyncadd.s32 $0xFFFFFC00  }
0x114: {  	_ =	sfence.sel $0x180000  }
0x115: {  	[bflag:$0x0] =	sbarrier.arrive $0xFFFF  }
0x116: {  	p0 =	sne.s32 s1, $0x0;
	_ =	strace $0x90000047  }
0x117: {  	s0 =	sadd.s32 @!p0 $0x100000, s0;
	[bflag:$0x2] =	sbarrier.arrive $0xFFFF  }
0x118: {  	[sflag:s0] =	ssyncadd.tile.s32 @!p0 $0x1;
	_ =	shalt  }
.Lfunc_end2:
_tile_overlayer_lowered:
.L_overlay_start_2:
0x119: {  	(tag) =	ssettag $0x2  }
0x11a: {  	s0 =	rddreg [dreg:$0x0];
	s2 =	stileid.u32  }
0x11b: {  	s1 =	rddreg [dreg:$0x1];
	p0 =	sne.s32 s2, $0x0  }
0x11c: {  	s3 =	rddreg [dreg:$0x2];
	[bflag:$0x3] =	sbarrier.arrive $0xFFFF;
	s2 =	simm.s32 @!p0 $0x1C03  }
0x11d: {  	[timem:s3], [sflag:s2] =	dma.local @!p0 [hbm:s0], s1  }
0x11e: {  	s0 =	simm.s32 @!p0 $0x3  }
0x11f: {  	_ =	swait.ge @!p0 [sflag:s0], s1  }
0x120: {  	s1 =	ssub.s32 @!p0 $0x0, s1;
	[sflag:s0] =	ssyncset.done @!p0 $0x0  }
0x121: {  	[sflag:s0] =	ssyncadd.s32 @!p0 s1  }
0x122: {  	[bflag:$0x3] =	sbarrier.arrive $0xFFFF  }
0x123: {  	_ =	shalt  }

</sc_bundles>
